<compile_context>
chip_gen: v7x
topology: tpu7x:2x2x1
jax: 0.10.2.dev20260603
libtpu: 0.0.44.dev20260713+nightly
codegen_flags: <defaults>
</compile_context>

<pallas_src>
import functools

import jax
import jax.numpy as jnp
from jax import lax
from jax.experimental import pallas as pl
from jax.experimental.pallas import tpu as pltpu
from jax.experimental.pallas import tpu_sc as plsc

INPUT_SIZE = 512
CONTEXT_SIZE = 256
CONTEXT_MAP_SIZE = 4
BATCH = 4096
NUM_CTX = 2 ** CONTEXT_MAP_SIZE

SC_CORES = 2
SC_SUBCORES = 16
SC_LANES = 16
NUM_WORKERS = SC_CORES * SC_SUBCORES
BPW = BATCH // NUM_WORKERS
CROWS = 24


_BC = 4096
_CPG = _BC // BPW


def _tc_body(x_ref, c_ref, p_ref, b_ref, w_ref, v_ref, cmb_ref):
    pj = lax.dot_general(
        p_ref[...], c_ref[...], (((1,), (0,)), ((), ())),
        preferred_element_type=jnp.float32)
    idx_row = jnp.zeros((1, _BC), jnp.float32)
    for j in range(CONTEXT_MAP_SIZE):
        idx_row = idx_row + jnp.where(pj[j:j + 1, :] > b_ref[j], v_ref[j],
                                      0.0)
    a16 = lax.dot_general(
        w_ref[...], x_ref[...], (((1,), (0,)), ((), ())),
        preferred_element_type=jnp.float32)
    for t in range(_CPG):
        lo, hi = t * BPW, (t + 1) * BPW
        cmb_ref[t, 0:1, :] = idx_row[:, lo:hi]
        cmb_ref[t, 1:1 + NUM_CTX, :] = a16[:, lo:hi]


def _sc_gather(cmb_hbm, out_hbm, tab_v, out_v):
    wid = lax.axis_index("s") * SC_CORES + lax.axis_index("c")
    base = wid * BPW
    pltpu.sync_copy(cmb_hbm.at[wid], tab_v)
    for i in range(BPW // SC_LANES):
        rows = tab_v[0, pl.ds(i * SC_LANES, SC_LANES)].astype(jnp.int32)
        b_loc = lax.iota(jnp.int32, SC_LANES) + (i * SC_LANES)
        out_v[pl.ds(i * SC_LANES, SC_LANES)] = plsc.load_gather(
            tab_v, [rows + 1, b_loc])
    pltpu.sync_copy(out_v, out_hbm.at[pl.ds(base, BPW)])


def kernel(logits, context_inputs, projection, projection_bias, weights,
           boolean_converter):
    f32 = jnp.float32

    cmb = pl.pallas_call(
        _tc_body,
        grid=(BATCH // _BC,),
        in_specs=[
            pl.BlockSpec((INPUT_SIZE, _BC), lambda i: (0, i)),
            pl.BlockSpec((CONTEXT_SIZE, _BC), lambda i: (0, i)),
            pl.BlockSpec((CONTEXT_MAP_SIZE, CONTEXT_SIZE), lambda i: (0, 0)),
            pl.BlockSpec(memory_space=pltpu.SMEM),
            pl.BlockSpec((NUM_CTX, INPUT_SIZE), lambda i: (0, 0)),
            pl.BlockSpec(memory_space=pltpu.SMEM),
        ],
        out_specs=[
            pl.BlockSpec((_CPG, CROWS, BPW), lambda i: (i, 0, 0)),
        ],
        out_shape=[
            jax.ShapeDtypeStruct((NUM_WORKERS, CROWS, BPW), f32),
        ],
    )(logits, context_inputs, projection, projection_bias.reshape(-1),
      weights, boolean_converter.reshape(-1))[0]

    sc_fn = functools.partial(
        pl.kernel,
        mesh=plsc.VectorSubcoreMesh(core_axis_name="c", subcore_axis_name="s"),
        out_type=jax.ShapeDtypeStruct((BATCH,), f32),
        scratch_types=[
            pltpu.VMEM((CROWS, BPW), f32),
            pltpu.VMEM((BPW,), f32),
        ],
        compiler_params=pltpu.CompilerParams(needs_layout_passes=False),
    )(_sc_gather)
    return sc_fn(cmb)

# --- scband reference (transcript-rebuilt; emitter-appended) ---
"""Pipeline reference for scband-neuron-62491774157438 (READ-ONLY COPY).

The authoritative reference and input builder live on the scoring server;
editing this copy changes nothing except your own understanding.
"""

import jax, jax.numpy as jnp
import numpy as np

INPUT_SIZE = 512
CONTEXT_SIZE = 256
CONTEXT_MAP_SIZE = 4
BATCH = 4096


def setup_inputs(seed: int = 0) -> dict:
    key = jax.random.key(seed)
    k1, k2, k3, k4 = jax.random.split(key, 4)
    logits = jax.random.normal(k1, (INPUT_SIZE, BATCH), dtype=jnp.float32)
    context_inputs = jax.random.normal(k2, (CONTEXT_SIZE, BATCH), dtype=jnp.float32)
    # projection ~ N(mu=0, std=0.1), then row-normalized (norm over dim=1)
    projection = 0.1 * jax.random.normal(k3, (CONTEXT_MAP_SIZE, CONTEXT_SIZE), dtype=jnp.float32)
    projection = projection / jnp.linalg.norm(projection, axis=1, keepdims=True)
    projection_bias = 0.1 * jax.random.normal(k4, (CONTEXT_MAP_SIZE, 1), dtype=jnp.float32)
    weights = jnp.ones((2 ** CONTEXT_MAP_SIZE, INPUT_SIZE), dtype=jnp.float32) * (1.0 / INPUT_SIZE)
    boolean_converter = jnp.array([[2.0 ** i] for i in range(CONTEXT_MAP_SIZE)], dtype=jnp.float32)
    return {
        "logits": logits,
        "context_inputs": context_inputs,
        "projection": projection,
        "projection_bias": projection_bias,
        "weights": weights,
        "boolean_converter": boolean_converter,
    }


def reference(logits, context_inputs, projection, projection_bias, weights, boolean_converter):
    # projected: [context_map_size, batch]
    projected = jnp.matmul(projection, context_inputs)
    if projected.ndim == 1:
        projected = projected.reshape(-1, 1)
    # binary context bits -> integer context index per example
    mapped_context_binary = (projected > projection_bias).astype(jnp.float32)
    current_context_indices = jnp.squeeze(
        jnp.sum(mapped_context_binary * boolean_converter, axis=0)
    ).astype(jnp.int32)
    # gather per-example weight rows from the context table: [batch, input_size]
    current_selected_weights = jnp.take(weights, current_context_indices, axis=0)
    # diagonal of (selected_weights @ logits): per-example dot products
    # (mathematically identical to torch.matmul(...).diagonal())
    output_logits = jnp.einsum('bi,ib->b', current_selected_weights, logits)
    return output_logits

if __name__ == "__main__":
    import jax
    _d = setup_inputs()
    print(jax.jit(kernel)(*tuple(_d.values())))

</pallas_src>

<mosaic_0001>
#map = affine_map<(d0, d1) -> (0, 0, 0)>
#map1 = affine_map<(d0, d1) -> (0)>
module attributes {stable_mosaic.version = 14 : i64} {
  func.func @_sc_gather(%arg0: i32, %arg1: i32, %arg2: memref<32x24x128xf32, #tpu.memory_space<hbm>>, %arg3: memref<4096xf32, #tpu.memory_space<hbm>>, %arg4: memref<24x128xf32, #tpu.memory_space<vmem>>, %arg5: memref<128xf32, #tpu.memory_space<vmem>>) attributes {dimension_semantics = [#tpu.dimension_semantics<core_parallel>, #tpu.dimension_semantics<subcore_parallel>], iteration_bounds = array<i64: 2, 16>, scalar_prefetch = 0 : i64, scratch_operands = 2 : i64, tpu.core_type = #tpu.core_type<sc_vector_subcore>, window_params = [{transform_indices = #map}, {transform_indices = #map1}]} {
    %mul3A = arith.constant 2 : i32
    %mul3A_0 = arith.muli %arg1, %mul3A : i32
    %add3A = arith.addi %mul3A_0, %arg0 : i32
    %mul3A_1 = arith.constant 128 : i32
    %mul3A_2 = arith.muli %add3A, %mul3A_1 : i32
    "tpu.region"() ({
      %run_scoped3A = tpu.sem_alloc : memref<!tpu.dma_semaphore, #tpu.memory_space<semaphore_mem>>
      %dma_start3A = arith.constant 0 : i32
      %dma_start3A_118 = arith.constant 0 : i32
      %dma_start3A_119 = tpu.memref_slice %arg2[%add3A, %dma_start3A, %dma_start3A_118] : memref<32x24x128xf32, #tpu.memory_space<hbm>> -> memref<1x24x128xf32, #tpu.memory_space<hbm>>
      %dma_start3A_120 = tpu.memref_squeeze %dma_start3A_119 : memref<1x24x128xf32, #tpu.memory_space<hbm>> -> memref<24x128xf32, #tpu.memory_space<hbm>>
      %dma_start3A_121 = arith.constant 0 : i32
      %dma_start3A_122 = arith.constant 0 : i32
      %dma_start3A_123 = tpu.memref_slice %arg2[%add3A, %dma_start3A_121, %dma_start3A_122] : memref<32x24x128xf32, #tpu.memory_space<hbm>> -> memref<1x24x128xf32, #tpu.memory_space<hbm>>
      %dma_start3A_124 = tpu.memref_squeeze %dma_start3A_123 : memref<1x24x128xf32, #tpu.memory_space<hbm>> -> memref<24x128xf32, #tpu.memory_space<hbm>>
      tpu.enqueue_dma source(%dma_start3A_124 : memref<24x128xf32, #tpu.memory_space<hbm>>) target(%arg4 : memref<24x128xf32, #tpu.memory_space<vmem>>) target_semaphore(%run_scoped3A : memref<!tpu.dma_semaphore, #tpu.memory_space<semaphore_mem>>)
      %dma_wait3A = arith.constant 0 : i32
      %dma_wait3A_125 = arith.constant 0 : i32
      %dma_wait3A_126 = tpu.memref_slice %arg2[%add3A, %dma_wait3A, %dma_wait3A_125] : memref<32x24x128xf32, #tpu.memory_space<hbm>> -> memref<1x24x128xf32, #tpu.memory_space<hbm>>
      %dma_wait3A_127 = tpu.memref_squeeze %dma_wait3A_126 : memref<1x24x128xf32, #tpu.memory_space<hbm>> -> memref<24x128xf32, #tpu.memory_space<hbm>>
      %dma_wait3A_128 = arith.constant 0 : i32
      %dma_wait3A_129 = arith.constant 0 : i32
      %dma_wait3A_130 = tpu.memref_slice %arg2[%add3A, %dma_wait3A_128, %dma_wait3A_129] : memref<32x24x128xf32, #tpu.memory_space<hbm>> -> memref<1x24x128xf32, #tpu.memory_space<hbm>>
      %dma_wait3A_131 = tpu.memref_squeeze %dma_wait3A_130 : memref<1x24x128xf32, #tpu.memory_space<hbm>> -> memref<24x128xf32, #tpu.memory_space<hbm>>
      tpu.wait_dma2 semaphore(%run_scoped3A : memref<!tpu.dma_semaphore, #tpu.memory_space<semaphore_mem>>) src(%dma_wait3A_131 : memref<24x128xf32, #tpu.memory_space<hbm>>) dst(%arg4 : memref<24x128xf32, #tpu.memory_space<vmem>>)
      tpu.yield
    }) : () -> ()
    %get3A = arith.constant 0 : i32
    %get3A_3 = arith.index_cast %get3A : i32 to index
    %get3A_4 = arith.constant 0 : index
    %get3A_5 = tpu.vector_load %arg4[%get3A_3, %get3A_4] {strides = array<i32>} : memref<24x128xf32, #tpu.memory_space<vmem>>, vector<16xf32>,
    %convert_element_type3A = arith.fptosi %get3A_5 : vector<16xf32> to vector<16xi32>
    %iota3A = tpu.iota {dimensions = array<i32: 0>} : vector<16xi32>
    %add3A_6 = arith.constant 0 : i32
    %add3A_7 = vector.broadcast %add3A_6 : i32 to vector<16xi32>
    %add3A_8 = arith.addi %iota3A, %add3A_7 : vector<16xi32>
    %add3A_9 = arith.constant 1 : i32
    %add3A_10 = vector.broadcast %add3A_9 : i32 to vector<16xi32>
    %add3A_11 = arith.addi %convert_element_type3A, %add3A_10 : vector<16xi32>
    %gather3A = tpu.vector_load_idx %arg4[%add3A_11, %add3A_8] : memref<24x128xf32, #tpu.memory_space<vmem>>[vector<16xi32>, vector<16xi32>], vector<16xf32>,
    %swap3A = arith.constant 0 : index
    %swap3A_12 = tpu.vector_load %arg5[%swap3A] {strides = array<i32>} : memref<128xf32, #tpu.memory_space<vmem>>, vector<16xf32>,
    tpu.vector_store %arg5[%swap3A], %gather3A {strides = array<i32>} : memref<128xf32, #tpu.memory_space<vmem>>, vector<16xf32>,
    %get3A_13 = arith.constant 0 : i32
    %get3A_14 = arith.index_cast %get3A_13 : i32 to index
    %get3A_15 = arith.constant 16 : index
    %get3A_16 = tpu.vector_load %arg4[%get3A_14, %get3A_15] {strides = array<i32>} : memref<24x128xf32, #tpu.memory_space<vmem>>, vector<16xf32>,
    %convert_element_type3A_17 = arith.fptosi %get3A_16 : vector<16xf32> to vector<16xi32>
    %iota3A_18 = tpu.iota {dimensions = array<i32: 0>} : vector<16xi32>
    %add3A_19 = arith.constant 16 : i32
    %add3A_20 = vector.broadcast %add3A_19 : i32 to vector<16xi32>
    %add3A_21 = arith.addi %iota3A_18, %add3A_20 : vector<16xi32>
    %add3A_22 = arith.constant 1 : i32
    %add3A_23 = vector.broadcast %add3A_22 : i32 to vector<16xi32>
    %add3A_24 = arith.addi %convert_element_type3A_17, %add3A_23 : vector<16xi32>
    %gather3A_25 = tpu.vector_load_idx %arg4[%add3A_24, %add3A_21] : memref<24x128xf32, #tpu.memory_space<vmem>>[vector<16xi32>, vector<16xi32>], vector<16xf32>,
    %swap3A_26 = arith.constant 16 : index
    %swap3A_27 = tpu.vector_load %arg5[%swap3A_26] {strides = array<i32>} : memref<128xf32, #tpu.memory_space<vmem>>, vector<16xf32>,
    tpu.vector_store %arg5[%swap3A_26], %gather3A_25 {strides = array<i32>} : memref<128xf32, #tpu.memory_space<vmem>>, vector<16xf32>,
    %get3A_28 = arith.constant 0 : i32
    %get3A_29 = arith.index_cast %get3A_28 : i32 to index
    %get3A_30 = arith.constant 32 : index
    %get3A_31 = tpu.vector_load %arg4[%get3A_29, %get3A_30] {strides = array<i32>} : memref<24x128xf32, #tpu.memory_space<vmem>>, vector<16xf32>,
    %convert_element_type3A_32 = arith.fptosi %get3A_31 : vector<16xf32> to vector<16xi32>
    %iota3A_33 = tpu.iota {dimensions = array<i32: 0>} : vector<16xi32>
    %add3A_34 = arith.constant 32 : i32
    %add3A_35 = vector.broadcast %add3A_34 : i32 to vector<16xi32>
    %add3A_36 = arith.addi %iota3A_33, %add3A_35 : vector<16xi32>
    %add3A_37 = arith.constant 1 : i32
    %add3A_38 = vector.broadcast %add3A_37 : i32 to vector<16xi32>
    %add3A_39 = arith.addi %convert_element_type3A_32, %add3A_38 : vector<16xi32>
    %gather3A_40 = tpu.vector_load_idx %arg4[%add3A_39, %add3A_36] : memref<24x128xf32, #tpu.memory_space<vmem>>[vector<16xi32>, vector<16xi32>], vector<16xf32>,
    %swap3A_41 = arith.constant 32 : index
    %swap3A_42 = tpu.vector_load %arg5[%swap3A_41] {strides = array<i32>} : memref<128xf32, #tpu.memory_space<vmem>>, vector<16xf32>,
    tpu.vector_store %arg5[%swap3A_41], %gather3A_40 {strides = array<i32>} : memref<128xf32, #tpu.memory_space<vmem>>, vector<16xf32>,
    %get3A_43 = arith.constant 0 : i32
    %get3A_44 = arith.index_cast %get3A_43 : i32 to index
    %get3A_45 = arith.constant 48 : index
    %get3A_46 = tpu.vector_load %arg4[%get3A_44, %get3A_45] {strides = array<i32>} : memref<24x128xf32, #tpu.memory_space<vmem>>, vector<16xf32>,
    %convert_element_type3A_47 = arith.fptosi %get3A_46 : vector<16xf32> to vector<16xi32>
    %iota3A_48 = tpu.iota {dimensions = array<i32: 0>} : vector<16xi32>
    %add3A_49 = arith.constant 48 : i32
    %add3A_50 = vector.broadcast %add3A_49 : i32 to vector<16xi32>
    %add3A_51 = arith.addi %iota3A_48, %add3A_50 : vector<16xi32>
    %add3A_52 = arith.constant 1 : i32
    %add3A_53 = vector.broadcast %add3A_52 : i32 to vector<16xi32>
    %add3A_54 = arith.addi %convert_element_type3A_47, %add3A_53 : vector<16xi32>
    %gather3A_55 = tpu.vector_load_idx %arg4[%add3A_54, %add3A_51] : memref<24x128xf32, #tpu.memory_space<vmem>>[vector<16xi32>, vector<16xi32>], vector<16xf32>,
    %swap3A_56 = arith.constant 48 : index
    %swap3A_57 = tpu.vector_load %arg5[%swap3A_56] {strides = array<i32>} : memref<128xf32, #tpu.memory_space<vmem>>, vector<16xf32>,
    tpu.vector_store %arg5[%swap3A_56], %gather3A_55 {strides = array<i32>} : memref<128xf32, #tpu.memory_space<vmem>>, vector<16xf32>,
    %get3A_58 = arith.constant 0 : i32
    %get3A_59 = arith.index_cast %get3A_58 : i32 to index
    %get3A_60 = arith.constant 64 : index
    %get3A_61 = tpu.vector_load %arg4[%get3A_59, %get3A_60] {strides = array<i32>} : memref<24x128xf32, #tpu.memory_space<vmem>>, vector<16xf32>,
    %convert_element_type3A_62 = arith.fptosi %get3A_61 : vector<16xf32> to vector<16xi32>
    %iota3A_63 = tpu.iota {dimensions = array<i32: 0>} : vector<16xi32>
    %add3A_64 = arith.constant 64 : i32
    %add3A_65 = vector.broadcast %add3A_64 : i32 to vector<16xi32>
    %add3A_66 = arith.addi %iota3A_63, %add3A_65 : vector<16xi32>
    %add3A_67 = arith.constant 1 : i32
    %add3A_68 = vector.broadcast %add3A_67 : i32 to vector<16xi32>
    %add3A_69 = arith.addi %convert_element_type3A_62, %add3A_68 : vector<16xi32>
    %gather3A_70 = tpu.vector_load_idx %arg4[%add3A_69, %add3A_66] : memref<24x128xf32, #tpu.memory_space<vmem>>[vector<16xi32>, vector<16xi32>], vector<16xf32>,
    %swap3A_71 = arith.constant 64 : index
    %swap3A_72 = tpu.vector_load %arg5[%swap3A_71] {strides = array<i32>} : memref<128xf32, #tpu.memory_space<vmem>>, vector<16xf32>,
    tpu.vector_store %arg5[%swap3A_71], %gather3A_70 {strides = array<i32>} : memref<128xf32, #tpu.memory_space<vmem>>, vector<16xf32>,
    %get3A_73 = arith.constant 0 : i32
    %get3A_74 = arith.index_cast %get3A_73 : i32 to index
    %get3A_75 = arith.constant 80 : index
    %get3A_76 = tpu.vector_load %arg4[%get3A_74, %get3A_75] {strides = array<i32>} : memref<24x128xf32, #tpu.memory_space<vmem>>, vector<16xf32>,
    %convert_element_type3A_77 = arith.fptosi %get3A_76 : vector<16xf32> to vector<16xi32>
    %iota3A_78 = tpu.iota {dimensions = array<i32: 0>} : vector<16xi32>
    %add3A_79 = arith.constant 80 : i32
    %add3A_80 = vector.broadcast %add3A_79 : i32 to vector<16xi32>
    %add3A_81 = arith.addi %iota3A_78, %add3A_80 : vector<16xi32>
    %add3A_82 = arith.constant 1 : i32
    %add3A_83 = vector.broadcast %add3A_82 : i32 to vector<16xi32>
    %add3A_84 = arith.addi %convert_element_type3A_77, %add3A_83 : vector<16xi32>
    %gather3A_85 = tpu.vector_load_idx %arg4[%add3A_84, %add3A_81] : memref<24x128xf32, #tpu.memory_space<vmem>>[vector<16xi32>, vector<16xi32>], vector<16xf32>,
    %swap3A_86 = arith.constant 80 : index
    %swap3A_87 = tpu.vector_load %arg5[%swap3A_86] {strides = array<i32>} : memref<128xf32, #tpu.memory_space<vmem>>, vector<16xf32>,
    tpu.vector_store %arg5[%swap3A_86], %gather3A_85 {strides = array<i32>} : memref<128xf32, #tpu.memory_space<vmem>>, vector<16xf32>,
    %get3A_88 = arith.constant 0 : i32
    %get3A_89 = arith.index_cast %get3A_88 : i32 to index
    %get3A_90 = arith.constant 96 : index
    %get3A_91 = tpu.vector_load %arg4[%get3A_89, %get3A_90] {strides = array<i32>} : memref<24x128xf32, #tpu.memory_space<vmem>>, vector<16xf32>,
    %convert_element_type3A_92 = arith.fptosi %get3A_91 : vector<16xf32> to vector<16xi32>
    %iota3A_93 = tpu.iota {dimensions = array<i32: 0>} : vector<16xi32>
    %add3A_94 = arith.constant 96 : i32
    %add3A_95 = vector.broadcast %add3A_94 : i32 to vector<16xi32>
    %add3A_96 = arith.addi %iota3A_93, %add3A_95 : vector<16xi32>
    %add3A_97 = arith.constant 1 : i32
    %add3A_98 = vector.broadcast %add3A_97 : i32 to vector<16xi32>
    %add3A_99 = arith.addi %convert_element_type3A_92, %add3A_98 : vector<16xi32>
    %gather3A_100 = tpu.vector_load_idx %arg4[%add3A_99, %add3A_96] : memref<24x128xf32, #tpu.memory_space<vmem>>[vector<16xi32>, vector<16xi32>], vector<16xf32>,
    %swap3A_101 = arith.constant 96 : index
    %swap3A_102 = tpu.vector_load %arg5[%swap3A_101] {strides = array<i32>} : memref<128xf32, #tpu.memory_space<vmem>>, vector<16xf32>,
    tpu.vector_store %arg5[%swap3A_101], %gather3A_100 {strides = array<i32>} : memref<128xf32, #tpu.memory_space<vmem>>, vector<16xf32>,
    %get3A_103 = arith.constant 0 : i32
    %get3A_104 = arith.index_cast %get3A_103 : i32 to index
    %get3A_105 = arith.constant 112 : index
    %get3A_106 = tpu.vector_load %arg4[%get3A_104, %get3A_105] {strides = array<i32>} : memref<24x128xf32, #tpu.memory_space<vmem>>, vector<16xf32>,
    %convert_element_type3A_107 = arith.fptosi %get3A_106 : vector<16xf32> to vector<16xi32>
    %iota3A_108 = tpu.iota {dimensions = array<i32: 0>} : vector<16xi32>
    %add3A_109 = arith.constant 112 : i32
    %add3A_110 = vector.broadcast %add3A_109 : i32 to vector<16xi32>
    %add3A_111 = arith.addi %iota3A_108, %add3A_110 : vector<16xi32>
    %add3A_112 = arith.constant 1 : i32
    %add3A_113 = vector.broadcast %add3A_112 : i32 to vector<16xi32>
    %add3A_114 = arith.addi %convert_element_type3A_107, %add3A_113 : vector<16xi32>
    %gather3A_115 = tpu.vector_load_idx %arg4[%add3A_114, %add3A_111] : memref<24x128xf32, #tpu.memory_space<vmem>>[vector<16xi32>, vector<16xi32>], vector<16xf32>,
    %swap3A_116 = arith.constant 112 : index
    %swap3A_117 = tpu.vector_load %arg5[%swap3A_116] {strides = array<i32>} : memref<128xf32, #tpu.memory_space<vmem>>, vector<16xf32>,
    tpu.vector_store %arg5[%swap3A_116], %gather3A_115 {strides = array<i32>} : memref<128xf32, #tpu.memory_space<vmem>>, vector<16xf32>,
    "tpu.region"() ({
      %run_scoped3A = tpu.sem_alloc : memref<!tpu.dma_semaphore, #tpu.memory_space<semaphore_mem>>
      %dma_start3A = tpu.memref_slice %arg3[%mul3A_2] : memref<4096xf32, #tpu.memory_space<hbm>> -> memref<128xf32, #tpu.memory_space<hbm>>
      %dma_start3A_118 = tpu.memref_slice %arg3[%mul3A_2] : memref<4096xf32, #tpu.memory_space<hbm>> -> memref<128xf32, #tpu.memory_space<hbm>>
      tpu.enqueue_dma source(%arg5 : memref<128xf32, #tpu.memory_space<vmem>>) target(%dma_start3A_118 : memref<128xf32, #tpu.memory_space<hbm>>) target_semaphore(%run_scoped3A : memref<!tpu.dma_semaphore, #tpu.memory_space<semaphore_mem>>)
      %dma_wait3A = tpu.memref_slice %arg3[%mul3A_2] : memref<4096xf32, #tpu.memory_space<hbm>> -> memref<128xf32, #tpu.memory_space<hbm>>
      %dma_wait3A_119 = tpu.memref_slice %arg3[%mul3A_2] : memref<4096xf32, #tpu.memory_space<hbm>> -> memref<128xf32, #tpu.memory_space<hbm>>
      tpu.wait_dma2 semaphore(%run_scoped3A : memref<!tpu.dma_semaphore, #tpu.memory_space<semaphore_mem>>) src(%arg5 : memref<128xf32, #tpu.memory_space<vmem>>) dst(%dma_wait3A_119 : memref<128xf32, #tpu.memory_space<hbm>>)
      tpu.yield
    }) : () -> ()
    return
  }
}

module attributes {stable_mosaic.version = 14 : i64} {
  func.func @_tc_body(%arg0: i32, %arg1: memref<512x4096xf32, #tpu.memory_space<vmem>>, %arg2: memref<256x4096xf32, #tpu.memory_space<vmem>>, %arg3: memref<4x256xf32, #tpu.memory_space<vmem>>, %arg4: memref<4xf32, #tpu.memory_space<smem>>, %arg5: memref<16x512xf32, #tpu.memory_space<vmem>>, %arg6: memref<4xf32, #tpu.memory_space<smem>>, %arg7: memref<32x24x128xf32, #tpu.memory_space<vmem>>) attributes {dimension_semantics = [#tpu.dimension_semantics<arbitrary>], iteration_bounds = array<i64: 1>, scalar_prefetch = 0 : i64, scratch_operands = 0 : i64, tpu.core_type = #tpu.core_type<tc>, window_params = [{transform_indices = @transform_0, window_bounds = array<i64: 512, 4096>}, {transform_indices = @transform_1, window_bounds = array<i64: 256, 4096>}, {pipeline_mode = #tpu.pipeline_mode<synchronous>, transform_indices = @transform_2, window_bounds = array<i64: 4, 256>}, {transform_indices = @transform_3, window_bounds = array<i64: 4>}, {pipeline_mode = #tpu.pipeline_mode<synchronous>, transform_indices = @transform_4, window_bounds = array<i64: 16, 512>}, {transform_indices = @transform_5, window_bounds = array<i64: 4>}, {transform_indices = @transform_6, window_bounds = array<i64: 32, 24, 128>}]} {
    %get3A = arith.constant 0 : index
    %get3A_0 = arith.constant 0 : index
    %get3A_1 = vector.load %arg3[%get3A, %get3A_0] : memref<4x256xf32, #tpu.memory_space<vmem>>, vector<4x256xf32>
    %get3A_2 = arith.constant 0 : index
    %get3A_3 = arith.constant 0 : index
    %get3A_4 = vector.load %arg2[%get3A_2, %get3A_3] : memref<256x4096xf32, #tpu.memory_space<vmem>>, vector<256x4096xf32>
    %dot_general3A = arith.constant dense<0.000000e+00> : vector<4x4096xf32>
    %dot_general3A_5 = tpu.matmul %get3A_1, %get3A_4, %dot_general3A {dimension_numbers = #tpu.dot_dimension_numbers<[1], [0], [0], [1], [0, 0, 1, 1], [], []>, transpose_lhs_hint = false} : vector<4x256xf32>, vector<256x4096xf32>, vector<4x4096xf32> -> vector<4x4096xf32>
    %broadcast_in_dim3A = arith.constant 0.000000e+00 : f32
    %broadcast_in_dim3A_6 = vector.broadcast %broadcast_in_dim3A : f32 to vector<1x4096xf32>
    %slice3A = vector.extract_strided_slice %dot_general3A_5 {offsets = [0, 0], sizes = [1, 4096], strides = [1, 1]} : vector<4x4096xf32> to vector<1x4096xf32>
    %get3A_7 = arith.constant 0 : index
    %get3A_8 = memref.load %arg4[%get3A_7] : memref<4xf32, #tpu.memory_space<smem>>
    %gt3A = vector.broadcast %get3A_8 : f32 to vector<1x4096xf32>
    %gt3A_9 = arith.cmpf ogt, %slice3A, %gt3A : vector<1x4096xf32>
    %get3A_10 = arith.constant 0 : index
    %get3A_11 = memref.load %arg6[%get3A_10] : memref<4xf32, #tpu.memory_space<smem>>
    %jit3A = arith.constant 0.000000e+00 : f32
    %broadcast_in_dim3A_12 = vector.broadcast %get3A_11 : f32 to vector<1x4096xf32>
    %broadcast_in_dim3A_13 = vector.broadcast %jit3A : f32 to vector<1x4096xf32>
    %select_n3A = arith.select %gt3A_9, %broadcast_in_dim3A_12, %broadcast_in_dim3A_13 : vector<1x4096xi1>, vector<1x4096xf32>
    %add3A = arith.addf %broadcast_in_dim3A_6, %select_n3A : vector<1x4096xf32>
    %slice3A_14 = vector.extract_strided_slice %dot_general3A_5 {offsets = [1, 0], sizes = [1, 4096], strides = [1, 1]} : vector<4x4096xf32> to vector<1x4096xf32>
    %get3A_15 = arith.constant 1 : index
    %get3A_16 = memref.load %arg4[%get3A_15] : memref<4xf32, #tpu.memory_space<smem>>
    %gt3A_17 = vector.broadcast %get3A_16 : f32 to vector<1x4096xf32>
    %gt3A_18 = arith.cmpf ogt, %slice3A_14, %gt3A_17 : vector<1x4096xf32>
    %get3A_19 = arith.constant 1 : index
    %get3A_20 = memref.load %arg6[%get3A_19] : memref<4xf32, #tpu.memory_space<smem>>
    %jit3A_21 = arith.constant 0.000000e+00 : f32
    %broadcast_in_dim3A_22 = vector.broadcast %get3A_20 : f32 to vector<1x4096xf32>
    %broadcast_in_dim3A_23 = vector.broadcast %jit3A_21 : f32 to vector<1x4096xf32>
    %select_n3A_24 = arith.select %gt3A_18, %broadcast_in_dim3A_22, %broadcast_in_dim3A_23 : vector<1x4096xi1>, vector<1x4096xf32>
    %add3A_25 = arith.addf %add3A, %select_n3A_24 : vector<1x4096xf32>
    %slice3A_26 = vector.extract_strided_slice %dot_general3A_5 {offsets = [2, 0], sizes = [1, 4096], strides = [1, 1]} : vector<4x4096xf32> to vector<1x4096xf32>
    %get3A_27 = arith.constant 2 : index
    %get3A_28 = memref.load %arg4[%get3A_27] : memref<4xf32, #tpu.memory_space<smem>>
    %gt3A_29 = vector.broadcast %get3A_28 : f32 to vector<1x4096xf32>
    %gt3A_30 = arith.cmpf ogt, %slice3A_26, %gt3A_29 : vector<1x4096xf32>
    %get3A_31 = arith.constant 2 : index
    %get3A_32 = memref.load %arg6[%get3A_31] : memref<4xf32, #tpu.memory_space<smem>>
    %jit3A_33 = arith.constant 0.000000e+00 : f32
    %broadcast_in_dim3A_34 = vector.broadcast %get3A_32 : f32 to vector<1x4096xf32>
    %broadcast_in_dim3A_35 = vector.broadcast %jit3A_33 : f32 to vector<1x4096xf32>
    %select_n3A_36 = arith.select %gt3A_30, %broadcast_in_dim3A_34, %broadcast_in_dim3A_35 : vector<1x4096xi1>, vector<1x4096xf32>
    %add3A_37 = arith.addf %add3A_25, %select_n3A_36 : vector<1x4096xf32>
    %slice3A_38 = vector.extract_strided_slice %dot_general3A_5 {offsets = [3, 0], sizes = [1, 4096], strides = [1, 1]} : vector<4x4096xf32> to vector<1x4096xf32>
    %get3A_39 = arith.constant 3 : index
    %get3A_40 = memref.load %arg4[%get3A_39] : memref<4xf32, #tpu.memory_space<smem>>
    %gt3A_41 = vector.broadcast %get3A_40 : f32 to vector<1x4096xf32>
    %gt3A_42 = arith.cmpf ogt, %slice3A_38, %gt3A_41 : vector<1x4096xf32>
    %get3A_43 = arith.constant 3 : index
    %get3A_44 = memref.load %arg6[%get3A_43] : memref<4xf32, #tpu.memory_space<smem>>
    %jit3A_45 = arith.constant 0.000000e+00 : f32
    %broadcast_in_dim3A_46 = vector.broadcast %get3A_44 : f32 to vector<1x4096xf32>
    %broadcast_in_dim3A_47 = vector.broadcast %jit3A_45 : f32 to vector<1x4096xf32>
    %select_n3A_48 = arith.select %gt3A_42, %broadcast_in_dim3A_46, %broadcast_in_dim3A_47 : vector<1x4096xi1>, vector<1x4096xf32>
    %add3A_49 = arith.addf %add3A_37, %select_n3A_48 : vector<1x4096xf32>
    %get3A_50 = arith.constant 0 : index
    %get3A_51 = arith.constant 0 : index
    %get3A_52 = vector.load %arg5[%get3A_50, %get3A_51] : memref<16x512xf32, #tpu.memory_space<vmem>>, vector<16x512xf32>
    %get3A_53 = arith.constant 0 : index
    %get3A_54 = arith.constant 0 : index
    %get3A_55 = vector.load %arg1[%get3A_53, %get3A_54] : memref<512x4096xf32, #tpu.memory_space<vmem>>, vector<512x4096xf32>
    %dot_general3A_56 = arith.constant dense<0.000000e+00> : vector<16x4096xf32>
    %dot_general3A_57 = tpu.matmul %get3A_52, %get3A_55, %dot_general3A_56 {dimension_numbers = #tpu.dot_dimension_numbers<[1], [0], [0], [1], [0, 0, 1, 1], [], []>, transpose_lhs_hint = false} : vector<16x512xf32>, vector<512x4096xf32>, vector<16x4096xf32> -> vector<16x4096xf32>
    %slice3A_58 = vector.extract_strided_slice %add3A_49 {offsets = [0, 0], sizes = [1, 128], strides = [1, 1]} : vector<1x4096xf32> to vector<1x128xf32>
    %swap3A = arith.constant 0 : index
    %swap3A_59 = arith.constant 0 : index
    %swap3A_60 = arith.constant 0 : index
    %swap3A_61 = vector.load %arg7[%swap3A, %swap3A_59, %swap3A_60] : memref<32x24x128xf32, #tpu.memory_space<vmem>>, vector<1x1x128xf32>
    %swap3A_62 = vector.shape_cast %swap3A_61 : vector<1x1x128xf32> to vector<1x128xf32>
    %swap3A_63 = vector.shape_cast %slice3A_58 : vector<1x128xf32> to vector<1x1x128xf32>
    tpu.vector_store %arg7[%swap3A, %swap3A_59, %swap3A_60], %swap3A_63 {strides = array<i32>} : memref<32x24x128xf32, #tpu.memory_space<vmem>>, vector<1x1x128xf32>,
    %slice3A_64 = vector.extract_strided_slice %dot_general3A_57 {offsets = [0, 0], sizes = [16, 128], strides = [1, 1]} : vector<16x4096xf32> to vector<16x128xf32>
    %swap3A_65 = arith.constant 0 : index
    %swap3A_66 = arith.constant 1 : index
    %swap3A_67 = arith.constant 0 : index
    %swap3A_68 = vector.load %arg7[%swap3A_65, %swap3A_66, %swap3A_67] : memref<32x24x128xf32, #tpu.memory_space<vmem>>, vector<1x16x128xf32>
    %swap3A_69 = vector.shape_cast %swap3A_68 : vector<1x16x128xf32> to vector<16x128xf32>
    %swap3A_70 = vector.shape_cast %slice3A_64 : vector<16x128xf32> to vector<1x16x128xf32>
    tpu.vector_store %arg7[%swap3A_65, %swap3A_66, %swap3A_67], %swap3A_70 {strides = array<i32>} : memref<32x24x128xf32, #tpu.memory_space<vmem>>, vector<1x16x128xf32>,
    %slice3A_71 = vector.extract_strided_slice %add3A_49 {offsets = [0, 128], sizes = [1, 128], strides = [1, 1]} : vector<1x4096xf32> to vector<1x128xf32>
    %swap3A_72 = arith.constant 1 : index
    %swap3A_73 = arith.constant 0 : index
    %swap3A_74 = arith.constant 0 : index
    %swap3A_75 = vector.load %arg7[%swap3A_72, %swap3A_73, %swap3A_74] : memref<32x24x128xf32, #tpu.memory_space<vmem>>, vector<1x1x128xf32>
    %swap3A_76 = vector.shape_cast %swap3A_75 : vector<1x1x128xf32> to vector<1x128xf32>
    %swap3A_77 = vector.shape_cast %slice3A_71 : vector<1x128xf32> to vector<1x1x128xf32>
    tpu.vector_store %arg7[%swap3A_72, %swap3A_73, %swap3A_74], %swap3A_77 {strides = array<i32>} : memref<32x24x128xf32, #tpu.memory_space<vmem>>, vector<1x1x128xf32>,
    %slice3A_78 = vector.extract_strided_slice %dot_general3A_57 {offsets = [0, 128], sizes = [16, 128], strides = [1, 1]} : vector<16x4096xf32> to vector<16x128xf32>
    %swap3A_79 = arith.constant 1 : index
    %swap3A_80 = arith.constant 1 : index
    %swap3A_81 = arith.constant 0 : index
    %swap3A_82 = vector.load %arg7[%swap3A_79, %swap3A_80, %swap3A_81] : memref<32x24x128xf32, #tpu.memory_space<vmem>>, vector<1x16x128xf32>
    %swap3A_83 = vector.shape_cast %swap3A_82 : vector<1x16x128xf32> to vector<16x128xf32>
    %swap3A_84 = vector.shape_cast %slice3A_78 : vector<16x128xf32> to vector<1x16x128xf32>
    tpu.vector_store %arg7[%swap3A_79, %swap3A_80, %swap3A_81], %swap3A_84 {strides = array<i32>} : memref<32x24x128xf32, #tpu.memory_space<vmem>>, vector<1x16x128xf32>,
    %slice3A_85 = vector.extract_strided_slice %add3A_49 {offsets = [0, 256], sizes = [1, 128], strides = [1, 1]} : vector<1x4096xf32> to vector<1x128xf32>
    %swap3A_86 = arith.constant 2 : index
    %swap3A_87 = arith.constant 0 : index
    %swap3A_88 = arith.constant 0 : index
    %swap3A_89 = vector.load %arg7[%swap3A_86, %swap3A_87, %swap3A_88] : memref<32x24x128xf32, #tpu.memory_space<vmem>>, vector<1x1x128xf32>
    %swap3A_90 = vector.shape_cast %swap3A_89 : vector<1x1x128xf32> to vector<1x128xf32>
    %swap3A_91 = vector.shape_cast %slice3A_85 : vector<1x128xf32> to vector<1x1x128xf32>
    tpu.vector_store %arg7[%swap3A_86, %swap3A_87, %swap3A_88], %swap3A_91 {strides = array<i32>} : memref<32x24x128xf32, #tpu.memory_space<vmem>>, vector<1x1x128xf32>,
    %slice3A_92 = vector.extract_strided_slice %dot_general3A_57 {offsets = [0, 256], sizes = [16, 128], strides = [1, 1]} : vector<16x4096xf32> to vector<16x128xf32>
    %swap3A_93 = arith.constant 2 : index
    %swap3A_94 = arith.constant 1 : index
    %swap3A_95 = arith.constant 0 : index
    %swap3A_96 = vector.load %arg7[%swap3A_93, %swap3A_94, %swap3A_95] : memref<32x24x128xf32, #tpu.memory_space<vmem>>, vector<1x16x128xf32>
    %swap3A_97 = vector.shape_cast %swap3A_96 : vector<1x16x128xf32> to vector<16x128xf32>
    %swap3A_98 = vector.shape_cast %slice3A_92 : vector<16x128xf32> to vector<1x16x128xf32>
    tpu.vector_store %arg7[%swap3A_93, %swap3A_94, %swap3A_95], %swap3A_98 {strides = array<i32>} : memref<32x24x128xf32, #tpu.memory_space<vmem>>, vector<1x16x128xf32>,
    %slice3A_99 = vector.extract_strided_slice %add3A_49 {offsets = [0, 384], sizes = [1, 128], strides = [1, 1]} : vector<1x4096xf32> to vector<1x128xf32>
    %swap3A_100 = arith.constant 3 : index
    %swap3A_101 = arith.constant 0 : index
    %swap3A_102 = arith.constant 0 : index
    %swap3A_103 = vector.load %arg7[%swap3A_100, %swap3A_101, %swap3A_102] : memref<32x24x128xf32, #tpu.memory_space<vmem>>, vector<1x1x128xf32>
    %swap3A_104 = vector.shape_cast %swap3A_103 : vector<1x1x128xf32> to vector<1x128xf32>
    %swap3A_105 = vector.shape_cast %slice3A_99 : vector<1x128xf32> to vector<1x1x128xf32>
    tpu.vector_store %arg7[%swap3A_100, %swap3A_101, %swap3A_102], %swap3A_105 {strides = array<i32>} : memref<32x24x128xf32, #tpu.memory_space<vmem>>, vector<1x1x128xf32>,
    %slice3A_106 = vector.extract_strided_slice %dot_general3A_57 {offsets = [0, 384], sizes = [16, 128], strides = [1, 1]} : vector<16x4096xf32> to vector<16x128xf32>
    %swap3A_107 = arith.constant 3 : index
    %swap3A_108 = arith.constant 1 : index
    %swap3A_109 = arith.constant 0 : index
    %swap3A_110 = vector.load %arg7[%swap3A_107, %swap3A_108, %swap3A_109] : memref<32x24x128xf32, #tpu.memory_space<vmem>>, vector<1x16x128xf32>
    %swap3A_111 = vector.shape_cast %swap3A_110 : vector<1x16x128xf32> to vector<16x128xf32>
    %swap3A_112 = vector.shape_cast %slice3A_106 : vector<16x128xf32> to vector<1x16x128xf32>
    tpu.vector_store %arg7[%swap3A_107, %swap3A_108, %swap3A_109], %swap3A_112 {strides = array<i32>} : memref<32x24x128xf32, #tpu.memory_space<vmem>>, vector<1x16x128xf32>,
    %slice3A_113 = vector.extract_strided_slice %add3A_49 {offsets = [0, 512], sizes = [1, 128], strides = [1, 1]} : vector<1x4096xf32> to vector<1x128xf32>
    %swap3A_114 = arith.constant 4 : index
    %swap3A_115 = arith.constant 0 : index
    %swap3A_116 = arith.constant 0 : index
    %swap3A_117 = vector.load %arg7[%swap3A_114, %swap3A_115, %swap3A_116] : memref<32x24x128xf32, #tpu.memory_space<vmem>>, vector<1x1x128xf32>
    %swap3A_118 = vector.shape_cast %swap3A_117 : vector<1x1x128xf32> to vector<1x128xf32>
    %swap3A_119 = vector.shape_cast %slice3A_113 : vector<1x128xf32> to vector<1x1x128xf32>
    tpu.vector_store %arg7[%swap3A_114, %swap3A_115, %swap3A_116], %swap3A_119 {strides = array<i32>} : memref<32x24x128xf32, #tpu.memory_space<vmem>>, vector<1x1x128xf32>,
    %slice3A_120 = vector.extract_strided_slice %dot_general3A_57 {offsets = [0, 512], sizes = [16, 128], strides = [1, 1]} : vector<16x4096xf32> to vector<16x128xf32>
    %swap3A_121 = arith.constant 4 : index
    %swap3A_122 = arith.constant 1 : index
    %swap3A_123 = arith.constant 0 : index
    %swap3A_124 = vector.load %arg7[%swap3A_121, %swap3A_122, %swap3A_123] : memref<32x24x128xf32, #tpu.memory_space<vmem>>, vector<1x16x128xf32>
    %swap3A_125 = vector.shape_cast %swap3A_124 : vector<1x16x128xf32> to vector<16x128xf32>
    %swap3A_126 = vector.shape_cast %slice3A_120 : vector<16x128xf32> to vector<1x16x128xf32>
    tpu.vector_store %arg7[%swap3A_121, %swap3A_122, %swap3A_123], %swap3A_126 {strides = array<i32>} : memref<32x24x128xf32, #tpu.memory_space<vmem>>, vector<1x16x128xf32>,
    %slice3A_127 = vector.extract_strided_slice %add3A_49 {offsets = [0, 640], sizes = [1, 128], strides = [1, 1]} : vector<1x4096xf32> to vector<1x128xf32>
    %swap3A_128 = arith.constant 5 : index
    %swap3A_129 = arith.constant 0 : index
    %swap3A_130 = arith.constant 0 : index
    %swap3A_131 = vector.load %arg7[%swap3A_128, %swap3A_129, %swap3A_130] : memref<32x24x128xf32, #tpu.memory_space<vmem>>, vector<1x1x128xf32>
    %swap3A_132 = vector.shape_cast %swap3A_131 : vector<1x1x128xf32> to vector<1x128xf32>
    %swap3A_133 = vector.shape_cast %slice3A_127 : vector<1x128xf32> to vector<1x1x128xf32>
    tpu.vector_store %arg7[%swap3A_128, %swap3A_129, %swap3A_130], %swap3A_133 {strides = array<i32>} : memref<32x24x128xf32, #tpu.memory_space<vmem>>, vector<1x1x128xf32>,
    %slice3A_134 = vector.extract_strided_slice %dot_general3A_57 {offsets = [0, 640], sizes = [16, 128], strides = [1, 1]} : vector<16x4096xf32> to vector<16x128xf32>
    %swap3A_135 = arith.constant 5 : index
    %swap3A_136 = arith.constant 1 : index
    %swap3A_137 = arith.constant 0 : index
    %swap3A_138 = vector.load %arg7[%swap3A_135, %swap3A_136, %swap3A_137] : memref<32x24x128xf32, #tpu.memory_space<vmem>>, vector<1x16x128xf32>
    %swap3A_139 = vector.shape_cast %swap3A_138 : vector<1x16x128xf32> to vector<16x128xf32>
    %swap3A_140 = vector.shape_cast %slice3A_134 : vector<16x128xf32> to vector<1x16x128xf32>
    tpu.vector_store %arg7[%swap3A_135, %swap3A_136, %swap3A_137], %swap3A_140 {strides = array<i32>} : memref<32x24x128xf32, #tpu.memory_space<vmem>>, vector<1x16x128xf32>,
    %slice3A_141 = vector.extract_strided_slice %add3A_49 {offsets = [0, 768], sizes = [1, 128], strides = [1, 1]} : vector<1x4096xf32> to vector<1x128xf32>
    %swap3A_142 = arith.constant 6 : index
    %swap3A_143 = arith.constant 0 : index
    %swap3A_144 = arith.constant 0 : index
    %swap3A_145 = vector.load %arg7[%swap3A_142, %swap3A_143, %swap3A_144] : memref<32x24x128xf32, #tpu.memory_space<vmem>>, vector<1x1x128xf32>
    %swap3A_146 = vector.shape_cast %swap3A_145 : vector<1x1x128xf32> to vector<1x128xf32>
    %swap3A_147 = vector.shape_cast %slice3A_141 : vector<1x128xf32> to vector<1x1x128xf32>
    tpu.vector_store %arg7[%swap3A_142, %swap3A_143, %swap3A_144], %swap3A_147 {strides = array<i32>} : memref<32x24x128xf32, #tpu.memory_space<vmem>>, vector<1x1x128xf32>,
    %slice3A_148 = vector.extract_strided_slice %dot_general3A_57 {offsets = [0, 768], sizes = [16, 128], strides = [1, 1]} : vector<16x4096xf32> to vector<16x128xf32>
    %swap3A_149 = arith.constant 6 : index
    %swap3A_150 = arith.constant 1 : index
    %swap3A_151 = arith.constant 0 : index
    %swap3A_152 = vector.load %arg7[%swap3A_149, %swap3A_150, %swap3A_151] : memref<32x24x128xf32, #tpu.memory_space<vmem>>, vector<1x16x128xf32>
    %swap3A_153 = vector.shape_cast %swap3A_152 : vector<1x16x128xf32> to vector<16x128xf32>
    %swap3A_154 = vector.shape_cast %slice3A_148 : vector<16x128xf32> to vector<1x16x128xf32>
    tpu.vector_store %arg7[%swap3A_149, %swap3A_150, %swap3A_151], %swap3A_154 {strides = array<i32>} : memref<32x24x128xf32, #tpu.memory_space<vmem>>, vector<1x16x128xf32>,
    %slice3A_155 = vector.extract_strided_slice %add3A_49 {offsets = [0, 896], sizes = [1, 128], strides = [1, 1]} : vector<1x4096xf32> to vector<1x128xf32>
    %swap3A_156 = arith.constant 7 : index
    %swap3A_157 = arith.constant 0 : index
    %swap3A_158 = arith.constant 0 : index
    %swap3A_159 = vector.load %arg7[%swap3A_156, %swap3A_157, %swap3A_158] : memref<32x24x128xf32, #tpu.memory_space<vmem>>, vector<1x1x128xf32>
    %swap3A_160 = vector.shape_cast %swap3A_159 : vector<1x1x128xf32> to vector<1x128xf32>
    %swap3A_161 = vector.shape_cast %slice3A_155 : vector<1x128xf32> to vector<1x1x128xf32>
    tpu.vector_store %arg7[%swap3A_156, %swap3A_157, %swap3A_158], %swap3A_161 {strides = array<i32>} : memref<32x24x128xf32, #tpu.memory_space<vmem>>, vector<1x1x128xf32>,
    %slice3A_162 = vector.extract_strided_slice %dot_general3A_57 {offsets = [0, 896], sizes = [16, 128], strides = [1, 1]} : vector<16x4096xf32> to vector<16x128xf32>
    %swap3A_163 = arith.constant 7 : index
    %swap3A_164 = arith.constant 1 : index
    %swap3A_165 = arith.constant 0 : index
    %swap3A_166 = vector.load %arg7[%swap3A_163, %swap3A_164, %swap3A_165] : memref<32x24x128xf32, #tpu.memory_space<vmem>>, vector<1x16x128xf32>
    %swap3A_167 = vector.shape_cast %swap3A_166 : vector<1x16x128xf32> to vector<16x128xf32>
    %swap3A_168 = vector.shape_cast %slice3A_162 : vector<16x128xf32> to vector<1x16x128xf32>
    tpu.vector_store %arg7[%swap3A_163, %swap3A_164, %swap3A_165], %swap3A_168 {strides = array<i32>} : memref<32x24x128xf32, #tpu.memory_space<vmem>>, vector<1x16x128xf32>,
    %slice3A_169 = vector.extract_strided_slice %add3A_49 {offsets = [0, 1024], sizes = [1, 128], strides = [1, 1]} : vector<1x4096xf32> to vector<1x128xf32>
    %swap3A_170 = arith.constant 8 : index
    %swap3A_171 = arith.constant 0 : index
    %swap3A_172 = arith.constant 0 : index
    %swap3A_173 = vector.load %arg7[%swap3A_170, %swap3A_171, %swap3A_172] : memref<32x24x128xf32, #tpu.memory_space<vmem>>, vector<1x1x128xf32>
    %swap3A_174 = vector.shape_cast %swap3A_173 : vector<1x1x128xf32> to vector<1x128xf32>
    %swap3A_175 = vector.shape_cast %slice3A_169 : vector<1x128xf32> to vector<1x1x128xf32>
    tpu.vector_store %arg7[%swap3A_170, %swap3A_171, %swap3A_172], %swap3A_175 {strides = array<i32>} : memref<32x24x128xf32, #tpu.memory_space<vmem>>, vector<1x1x128xf32>,
    %slice3A_176 = vector.extract_strided_slice %dot_general3A_57 {offsets = [0, 1024], sizes = [16, 128], strides = [1, 1]} : vector<16x4096xf32> to vector<16x128xf32>
    %swap3A_177 = arith.constant 8 : index
    %swap3A_178 = arith.constant 1 : index
    %swap3A_179 = arith.constant 0 : index
    %swap3A_180 = vector.load %arg7[%swap3A_177, %swap3A_178, %swap3A_179] : memref<32x24x128xf32, #tpu.memory_space<vmem>>, vector<1x16x128xf32>
    %swap3A_181 = vector.shape_cast %swap3A_180 : vector<1x16x128xf32> to vector<16x128xf32>
    %swap3A_182 = vector.shape_cast %slice3A_176 : vector<16x128xf32> to vector<1x16x128xf32>
    tpu.vector_store %arg7[%swap3A_177, %swap3A_178, %swap3A_179], %swap3A_182 {strides = array<i32>} : memref<32x24x128xf32, #tpu.memory_space<vmem>>, vector<1x16x128xf32>,
    %slice3A_183 = vector.extract_strided_slice %add3A_49 {offsets = [0, 1152], sizes = [1, 128], strides = [1, 1]} : vector<1x4096xf32> to vector<1x128xf32>
    %swap3A_184 = arith.constant 9 : index
    %swap3A_185 = arith.constant 0 : index
    %swap3A_186 = arith.constant 0 : index
    %swap3A_187 = vector.load %arg7[%swap3A_184, %swap3A_185, %swap3A_186] : memref<32x24x128xf32, #tpu.memory_space<vmem>>, vector<1x1x128xf32>
    %swap3A_188 = vector.shape_cast %swap3A_187 : vector<1x1x128xf32> to vector<1x128xf32>
    %swap3A_189 = vector.shape_cast %slice3A_183 : vector<1x128xf32> to vector<1x1x128xf32>
    tpu.vector_store %arg7[%swap3A_184, %swap3A_185, %swap3A_186], %swap3A_189 {strides = array<i32>} : memref<32x24x128xf32, #tpu.memory_space<vmem>>, vector<1x1x128xf32>,
    %slice3A_190 = vector.extract_strided_slice %dot_general3A_57 {offsets = [0, 1152], sizes = [16, 128], strides = [1, 1]} : vector<16x4096xf32> to vector<16x128xf32>
    %swap3A_191 = arith.constant 9 : index
    %swap3A_192 = arith.constant 1 : index
    %swap3A_193 = arith.constant 0 : index
    %swap3A_194 = vector.load %arg7[%swap3A_191, %swap3A_192, %swap3A_193] : memref<32x24x128xf32, #tpu.memory_space<vmem>>, vector<1x16x128xf32>
    %swap3A_195 = vector.shape_cast %swap3A_194 : vector<1x16x128xf32> to vector<16x128xf32>
    %swap3A_196 = vector.shape_cast %slice3A_190 : vector<16x128xf32> to vector<1x16x128xf32>
    tpu.vector_store %arg7[%swap3A_191, %swap3A_192, %swap3A_193], %swap3A_196 {strides = array<i32>} : memref<32x24x128xf32, #tpu.memory_space<vmem>>, vector<1x16x128xf32>,
    %slice3A_197 = vector.extract_strided_slice %add3A_49 {offsets = [0, 1280], sizes = [1, 128], strides = [1, 1]} : vector<1x4096xf32> to vector<1x128xf32>
    %swap3A_198 = arith.constant 10 : index
    %swap3A_199 = arith.constant 0 : index
    %swap3A_200 = arith.constant 0 : index
    %swap3A_201 = vector.load %arg7[%swap3A_198, %swap3A_199, %swap3A_200] : memref<32x24x128xf32, #tpu.memory_space<vmem>>, vector<1x1x128xf32>
    %swap3A_202 = vector.shape_cast %swap3A_201 : vector<1x1x128xf32> to vector<1x128xf32>
    %swap3A_203 = vector.shape_cast %slice3A_197 : vector<1x128xf32> to vector<1x1x128xf32>
    tpu.vector_store %arg7[%swap3A_198, %swap3A_199, %swap3A_200], %swap3A_203 {strides = array<i32>} : memref<32x24x128xf32, #tpu.memory_space<vmem>>, vector<1x1x128xf32>,
    %slice3A_204 = vector.extract_strided_slice %dot_general3A_57 {offsets = [0, 1280], sizes = [16, 128], strides = [1, 1]} : vector<16x4096xf32> to vector<16x128xf32>
    %swap3A_205 = arith.constant 10 : index
    %swap3A_206 = arith.constant 1 : index
    %swap3A_207 = arith.constant 0 : index
    %swap3A_208 = vector.load %arg7[%swap3A_205, %swap3A_206, %swap3A_207] : memref<32x24x128xf32, #tpu.memory_space<vmem>>, vector<1x16x128xf32>
    %swap3A_209 = vector.shape_cast %swap3A_208 : vector<1x16x128xf32> to vector<16x128xf32>
    %swap3A_210 = vector.shape_cast %slice3A_204 : vector<16x128xf32> to vector<1x16x128xf32>
    tpu.vector_store %arg7[%swap3A_205, %swap3A_206, %swap3A_207], %swap3A_210 {strides = array<i32>} : memref<32x24x128xf32, #tpu.memory_space<vmem>>, vector<1x16x128xf32>,
    %slice3A_211 = vector.extract_strided_slice %add3A_49 {offsets = [0, 1408], sizes = [1, 128], strides = [1, 1]} : vector<1x4096xf32> to vector<1x128xf32>
    %swap3A_212 = arith.constant 11 : index
    %swap3A_213 = arith.constant 0 : index
    %swap3A_214 = arith.constant 0 : index
    %swap3A_215 = vector.load %arg7[%swap3A_212, %swap3A_213, %swap3A_214] : memref<32x24x128xf32, #tpu.memory_space<vmem>>, vector<1x1x128xf32>
    %swap3A_216 = vector.shape_cast %swap3A_215 : vector<1x1x128xf32> to vector<1x128xf32>
    %swap3A_217 = vector.shape_cast %slice3A_211 : vector<1x128xf32> to vector<1x1x128xf32>
    tpu.vector_store %arg7[%swap3A_212, %swap3A_213, %swap3A_214], %swap3A_217 {strides = array<i32>} : memref<32x24x128xf32, #tpu.memory_space<vmem>>, vector<1x1x128xf32>,
    %slice3A_218 = vector.extract_strided_slice %dot_general3A_57 {offsets = [0, 1408], sizes = [16, 128], strides = [1, 1]} : vector<16x4096xf32> to vector<16x128xf32>
    %swap3A_219 = arith.constant 11 : index
    %swap3A_220 = arith.constant 1 : index
    %swap3A_221 = arith.constant 0 : index
    %swap3A_222 = vector.load %arg7[%swap3A_219, %swap3A_220, %swap3A_221] : memref<32x24x128xf32, #tpu.memory_space<vmem>>, vector<1x16x128xf32>
    %swap3A_223 = vector.shape_cast %swap3A_222 : vector<1x16x128xf32> to vector<16x128xf32>
    %swap3A_224 = vector.shape_cast %slice3A_218 : vector<16x128xf32> to vector<1x16x128xf32>
    tpu.vector_store %arg7[%swap3A_219, %swap3A_220, %swap3A_221], %swap3A_224 {strides = array<i32>} : memref<32x24x128xf32, #tpu.memory_space<vmem>>, vector<1x16x128xf32>,
    %slice3A_225 = vector.extract_strided_slice %add3A_49 {offsets = [0, 1536], sizes = [1, 128], strides = [1, 1]} : vector<1x4096xf32> to vector<1x128xf32>
    %swap3A_226 = arith.constant 12 : index
    %swap3A_227 = arith.constant 0 : index
    %swap3A_228 = arith.constant 0 : index
    %swap3A_229 = vector.load %arg7[%swap3A_226, %swap3A_227, %swap3A_228] : memref<32x24x128xf32, #tpu.memory_space<vmem>>, vector<1x1x128xf32>
    %swap3A_230 = vector.shape_cast %swap3A_229 : vector<1x1x128xf32> to vector<1x128xf32>
    %swap3A_231 = vector.shape_cast %slice3A_225 : vector<1x128xf32> to vector<1x1x128xf32>
    tpu.vector_store %arg7[%swap3A_226, %swap3A_227, %swap3A_228], %swap3A_231 {strides = array<i32>} : memref<32x24x128xf32, #tpu.memory_space<vmem>>, vector<1x1x128xf32>,
    %slice3A_232 = vector.extract_strided_slice %dot_general3A_57 {offsets = [0, 1536], sizes = [16, 128], strides = [1, 1]} : vector<16x4096xf32> to vector<16x128xf32>
    %swap3A_233 = arith.constant 12 : index
    %swap3A_234 = arith.constant 1 : index
    %swap3A_235 = arith.constant 0 : index
    %swap3A_236 = vector.load %arg7[%swap3A_233, %swap3A_234, %swap3A_235] : memref<32x24x128xf32, #tpu.memory_space<vmem>>, vector<1x16x128xf32>
    %swap3A_237 = vector.shape_cast %swap3A_236 : vector<1x16x128xf32> to vector<16x128xf32>
    %swap3A_238 = vector.shape_cast %slice3A_232 : vector<16x128xf32> to vector<1x16x128xf32>
    tpu.vector_store %arg7[%swap3A_233, %swap3A_234, %swap3A_235], %swap3A_238 {strides = array<i32>} : memref<32x24x128xf32, #tpu.memory_space<vmem>>, vector<1x16x128xf32>,
    %slice3A_239 = vector.extract_strided_slice %add3A_49 {offsets = [0, 1664], sizes = [1, 128], strides = [1, 1]} : vector<1x4096xf32> to vector<1x128xf32>
    %swap3A_240 = arith.constant 13 : index
    %swap3A_241 = arith.constant 0 : index
    %swap3A_242 = arith.constant 0 : index
    %swap3A_243 = vector.load %arg7[%swap3A_240, %swap3A_241, %swap3A_242] : memref<32x24x128xf32, #tpu.memory_space<vmem>>, vector<1x1x128xf32>
    %swap3A_244 = vector.shape_cast %swap3A_243 : vector<1x1x128xf32> to vector<1x128xf32>
    %swap3A_245 = vector.shape_cast %slice3A_239 : vector<1x128xf32> to vector<1x1x128xf32>
    tpu.vector_store %arg7[%swap3A_240, %swap3A_241, %swap3A_242], %swap3A_245 {strides = array<i32>} : memref<32x24x128xf32, #tpu.memory_space<vmem>>, vector<1x1x128xf32>,
    %slice3A_246 = vector.extract_strided_slice %dot_general3A_57 {offsets = [0, 1664], sizes = [16, 128], strides = [1, 1]} : vector<16x4096xf32> to vector<16x128xf32>
    %swap3A_247 = arith.constant 13 : index
    %swap3A_248 = arith.constant 1 : index
    %swap3A_249 = arith.constant 0 : index
    %swap3A_250 = vector.load %arg7[%swap3A_247, %swap3A_248, %swap3A_249] : memref<32x24x128xf32, #tpu.memory_space<vmem>>, vector<1x16x128xf32>
    %swap3A_251 = vector.shape_cast %swap3A_250 : vector<1x16x128xf32> to vector<16x128xf32>
    %swap3A_252 = vector.shape_cast %slice3A_246 : vector<16x128xf32> to vector<1x16x128xf32>
    tpu.vector_store %arg7[%swap3A_247, %swap3A_248, %swap3A_249], %swap3A_252 {strides = array<i32>} : memref<32x24x128xf32, #tpu.memory_space<vmem>>, vector<1x16x128xf32>,
    %slice3A_253 = vector.extract_strided_slice %add3A_49 {offsets = [0, 1792], sizes = [1, 128], strides = [1, 1]} : vector<1x4096xf32> to vector<1x128xf32>
    %swap3A_254 = arith.constant 14 : index
    %swap3A_255 = arith.constant 0 : index
    %swap3A_256 = arith.constant 0 : index
    %swap3A_257 = vector.load %arg7[%swap3A_254, %swap3A_255, %swap3A_256] : memref<32x24x128xf32, #tpu.memory_space<vmem>>, vector<1x1x128xf32>
    %swap3A_258 = vector.shape_cast %swap3A_257 : vector<1x1x128xf32> to vector<1x128xf32>
    %swap3A_259 = vector.shape_cast %slice3A_253 : vector<1x128xf32> to vector<1x1x128xf32>
    tpu.vector_store %arg7[%swap3A_254, %swap3A_255, %swap3A_256], %swap3A_259 {strides = array<i32>} : memref<32x24x128xf32, #tpu.memory_space<vmem>>, vector<1x1x128xf32>,
    %slice3A_260 = vector.extract_strided_slice %dot_general3A_57 {offsets = [0, 1792], sizes = [16, 128], strides = [1, 1]} : vector<16x4096xf32> to vector<16x128xf32>
    %swap3A_261 = arith.constant 14 : index
    %swap3A_262 = arith.constant 1 : index
    %swap3A_263 = arith.constant 0 : index
    %swap3A_264 = vector.load %arg7[%swap3A_261, %swap3A_262, %swap3A_263] : memref<32x24x128xf32, #tpu.memory_space<vmem>>, vector<1x16x128xf32>
    %swap3A_265 = vector.shape_cast %swap3A_264 : vector<1x16x128xf32> to vector<16x128xf32>
    %swap3A_266 = vector.shape_cast %slice3A_260 : vector<16x128xf32> to vector<1x16x128xf32>
    tpu.vector_store %arg7[%swap3A_261, %swap3A_262, %swap3A_263], %swap3A_266 {strides = array<i32>} : memref<32x24x128xf32, #tpu.memory_space<vmem>>, vector<1x16x128xf32>,
    %slice3A_267 = vector.extract_strided_slice %add3A_49 {offsets = [0, 1920], sizes = [1, 128], strides = [1, 1]} : vector<1x4096xf32> to vector<1x128xf32>
    %swap3A_268 = arith.constant 15 : index
    %swap3A_269 = arith.constant 0 : index
    %swap3A_270 = arith.constant 0 : index
    %swap3A_271 = vector.load %arg7[%swap3A_268, %swap3A_269, %swap3A_270] : memref<32x24x128xf32, #tpu.memory_space<vmem>>, vector<1x1x128xf32>
    %swap3A_272 = vector.shape_cast %swap3A_271 : vector<1x1x128xf32> to vector<1x128xf32>
    %swap3A_273 = vector.shape_cast %slice3A_267 : vector<1x128xf32> to vector<1x1x128xf32>
    tpu.vector_store %arg7[%swap3A_268, %swap3A_269, %swap3A_270], %swap3A_273 {strides = array<i32>} : memref<32x24x128xf32, #tpu.memory_space<vmem>>, vector<1x1x128xf32>,
    %slice3A_274 = vector.extract_strided_slice %dot_general3A_57 {offsets = [0, 1920], sizes = [16, 128], strides = [1, 1]} : vector<16x4096xf32> to vector<16x128xf32>
    %swap3A_275 = arith.constant 15 : index
    %swap3A_276 = arith.constant 1 : index
    %swap3A_277 = arith.constant 0 : index
    %swap3A_278 = vector.load %arg7[%swap3A_275, %swap3A_276, %swap3A_277] : memref<32x24x128xf32, #tpu.memory_space<vmem>>, vector<1x16x128xf32>
    %swap3A_279 = vector.shape_cast %swap3A_278 : vector<1x16x128xf32> to vector<16x128xf32>
    %swap3A_280 = vector.shape_cast %slice3A_274 : vector<16x128xf32> to vector<1x16x128xf32>
    tpu.vector_store %arg7[%swap3A_275, %swap3A_276, %swap3A_277], %swap3A_280 {strides = array<i32>} : memref<32x24x128xf32, #tpu.memory_space<vmem>>, vector<1x16x128xf32>,
    %slice3A_281 = vector.extract_strided_slice %add3A_49 {offsets = [0, 2048], sizes = [1, 128], strides = [1, 1]} : vector<1x4096xf32> to vector<1x128xf32>
    %swap3A_282 = arith.constant 16 : index
    %swap3A_283 = arith.constant 0 : index
    %swap3A_284 = arith.constant 0 : index
    %swap3A_285 = vector.load %arg7[%swap3A_282, %swap3A_283, %swap3A_284] : memref<32x24x128xf32, #tpu.memory_space<vmem>>, vector<1x1x128xf32>
    %swap3A_286 = vector.shape_cast %swap3A_285 : vector<1x1x128xf32> to vector<1x128xf32>
    %swap3A_287 = vector.shape_cast %slice3A_281 : vector<1x128xf32> to vector<1x1x128xf32>
    tpu.vector_store %arg7[%swap3A_282, %swap3A_283, %swap3A_284], %swap3A_287 {strides = array<i32>} : memref<32x24x128xf32, #tpu.memory_space<vmem>>, vector<1x1x128xf32>,
    %slice3A_288 = vector.extract_strided_slice %dot_general3A_57 {offsets = [0, 2048], sizes = [16, 128], strides = [1, 1]} : vector<16x4096xf32> to vector<16x128xf32>
    %swap3A_289 = arith.constant 16 : index
    %swap3A_290 = arith.constant 1 : index
    %swap3A_291 = arith.constant 0 : index
    %swap3A_292 = vector.load %arg7[%swap3A_289, %swap3A_290, %swap3A_291] : memref<32x24x128xf32, #tpu.memory_space<vmem>>, vector<1x16x128xf32>
    %swap3A_293 = vector.shape_cast %swap3A_292 : vector<1x16x128xf32> to vector<16x128xf32>
    %swap3A_294 = vector.shape_cast %slice3A_288 : vector<16x128xf32> to vector<1x16x128xf32>
    tpu.vector_store %arg7[%swap3A_289, %swap3A_290, %swap3A_291], %swap3A_294 {strides = array<i32>} : memref<32x24x128xf32, #tpu.memory_space<vmem>>, vector<1x16x128xf32>,
    %slice3A_295 = vector.extract_strided_slice %add3A_49 {offsets = [0, 2176], sizes = [1, 128], strides = [1, 1]} : vector<1x4096xf32> to vector<1x128xf32>
    %swap3A_296 = arith.constant 17 : index
    %swap3A_297 = arith.constant 0 : index
    %swap3A_298 = arith.constant 0 : index
    %swap3A_299 = vector.load %arg7[%swap3A_296, %swap3A_297, %swap3A_298] : memref<32x24x128xf32, #tpu.memory_space<vmem>>, vector<1x1x128xf32>
    %swap3A_300 = vector.shape_cast %swap3A_299 : vector<1x1x128xf32> to vector<1x128xf32>
    %swap3A_301 = vector.shape_cast %slice3A_295 : vector<1x128xf32> to vector<1x1x128xf32>
    tpu.vector_store %arg7[%swap3A_296, %swap3A_297, %swap3A_298], %swap3A_301 {strides = array<i32>} : memref<32x24x128xf32, #tpu.memory_space<vmem>>, vector<1x1x128xf32>,
    %slice3A_302 = vector.extract_strided_slice %dot_general3A_57 {offsets = [0, 2176], sizes = [16, 128], strides = [1, 1]} : vector<16x4096xf32> to vector<16x128xf32>
    %swap3A_303 = arith.constant 17 : index
    %swap3A_304 = arith.constant 1 : index
    %swap3A_305 = arith.constant 0 : index
    %swap3A_306 = vector.load %arg7[%swap3A_303, %swap3A_304, %swap3A_305] : memref<32x24x128xf32, #tpu.memory_space<vmem>>, vector<1x16x128xf32>
    %swap3A_307 = vector.shape_cast %swap3A_306 : vector<1x16x128xf32> to vector<16x128xf32>
    %swap3A_308 = vector.shape_cast %slice3A_302 : vector<16x128xf32> to vector<1x16x128xf32>
    tpu.vector_store %arg7[%swap3A_303, %swap3A_304, %swap3A_305], %swap3A_308 {strides = array<i32>} : memref<32x24x128xf32, #tpu.memory_space<vmem>>, vector<1x16x128xf32>,
    %slice3A_309 = vector.extract_strided_slice %add3A_49 {offsets = [0, 2304], sizes = [1, 128], strides = [1, 1]} : vector<1x4096xf32> to vector<1x128xf32>
    %swap3A_310 = arith.constant 18 : index
    %swap3A_311 = arith.constant 0 : index
    %swap3A_312 = arith.constant 0 : index
    %swap3A_313 = vector.load %arg7[%swap3A_310, %swap3A_311, %swap3A_312] : memref<32x24x128xf32, #tpu.memory_space<vmem>>, vector<1x1x128xf32>
    %swap3A_314 = vector.shape_cast %swap3A_313 : vector<1x1x128xf32> to vector<1x128xf32>
    %swap3A_315 = vector.shape_cast %slice3A_309 : vector<1x128xf32> to vector<1x1x128xf32>
    tpu.vector_store %arg7[%swap3A_310, %swap3A_311, %swap3A_312], %swap3A_315 {strides = array<i32>} : memref<32x24x128xf32, #tpu.memory_space<vmem>>, vector<1x1x128xf32>,
    %slice3A_316 = vector.extract_strided_slice %dot_general3A_57 {offsets = [0, 2304], sizes = [16, 128], strides = [1, 1]} : vector<16x4096xf32> to vector<16x128xf32>
    %swap3A_317 = arith.constant 18 : index
    %swap3A_318 = arith.constant 1 : index
    %swap3A_319 = arith.constant 0 : index
    %swap3A_320 = vector.load %arg7[%swap3A_317, %swap3A_318, %swap3A_319] : memref<32x24x128xf32, #tpu.memory_space<vmem>>, vector<1x16x128xf32>
    %swap3A_321 = vector.shape_cast %swap3A_320 : vector<1x16x128xf32> to vector<16x128xf32>
    %swap3A_322 = vector.shape_cast %slice3A_316 : vector<16x128xf32> to vector<1x16x128xf32>
    tpu.vector_store %arg7[%swap3A_317, %swap3A_318, %swap3A_319], %swap3A_322 {strides = array<i32>} : memref<32x24x128xf32, #tpu.memory_space<vmem>>, vector<1x16x128xf32>,
    %slice3A_323 = vector.extract_strided_slice %add3A_49 {offsets = [0, 2432], sizes = [1, 128], strides = [1, 1]} : vector<1x4096xf32> to vector<1x128xf32>
    %swap3A_324 = arith.constant 19 : index
    %swap3A_325 = arith.constant 0 : index
    %swap3A_326 = arith.constant 0 : index
    %swap3A_327 = vector.load %arg7[%swap3A_324, %swap3A_325, %swap3A_326] : memref<32x24x128xf32, #tpu.memory_space<vmem>>, vector<1x1x128xf32>
    %swap3A_328 = vector.shape_cast %swap3A_327 : vector<1x1x128xf32> to vector<1x128xf32>
    %swap3A_329 = vector.shape_cast %slice3A_323 : vector<1x128xf32> to vector<1x1x128xf32>
    tpu.vector_store %arg7[%swap3A_324, %swap3A_325, %swap3A_326], %swap3A_329 {strides = array<i32>} : memref<32x24x128xf32, #tpu.memory_space<vmem>>, vector<1x1x128xf32>,
    %slice3A_330 = vector.extract_strided_slice %dot_general3A_57 {offsets = [0, 2432], sizes = [16, 128], strides = [1, 1]} : vector<16x4096xf32> to vector<16x128xf32>
    %swap3A_331 = arith.constant 19 : index
    %swap3A_332 = arith.constant 1 : index
    %swap3A_333 = arith.constant 0 : index
    %swap3A_334 = vector.load %arg7[%swap3A_331, %swap3A_332, %swap3A_333] : memref<32x24x128xf32, #tpu.memory_space<vmem>>, vector<1x16x128xf32>
    %swap3A_335 = vector.shape_cast %swap3A_334 : vector<1x16x128xf32> to vector<16x128xf32>
    %swap3A_336 = vector.shape_cast %slice3A_330 : vector<16x128xf32> to vector<1x16x128xf32>
    tpu.vector_store %arg7[%swap3A_331, %swap3A_332, %swap3A_333], %swap3A_336 {strides = array<i32>} : memref<32x24x128xf32, #tpu.memory_space<vmem>>, vector<1x16x128xf32>,
    %slice3A_337 = vector.extract_strided_slice %add3A_49 {offsets = [0, 2560], sizes = [1, 128], strides = [1, 1]} : vector<1x4096xf32> to vector<1x128xf32>
    %swap3A_338 = arith.constant 20 : index
    %swap3A_339 = arith.constant 0 : index
    %swap3A_340 = arith.constant 0 : index
    %swap3A_341 = vector.load %arg7[%swap3A_338, %swap3A_339, %swap3A_340] : memref<32x24x128xf32, #tpu.memory_space<vmem>>, vector<1x1x128xf32>
    %swap3A_342 = vector.shape_cast %swap3A_341 : vector<1x1x128xf32> to vector<1x128xf32>
    %swap3A_343 = vector.shape_cast %slice3A_337 : vector<1x128xf32> to vector<1x1x128xf32>
    tpu.vector_store %arg7[%swap3A_338, %swap3A_339, %swap3A_340], %swap3A_343 {strides = array<i32>} : memref<32x24x128xf32, #tpu.memory_space<vmem>>, vector<1x1x128xf32>,
    %slice3A_344 = vector.extract_strided_slice %dot_general3A_57 {offsets = [0, 2560], sizes = [16, 128], strides = [1, 1]} : vector<16x4096xf32> to vector<16x128xf32>
    %swap3A_345 = arith.constant 20 : index
    %swap3A_346 = arith.constant 1 : index
    %swap3A_347 = arith.constant 0 : index
    %swap3A_348 = vector.load %arg7[%swap3A_345, %swap3A_346, %swap3A_347] : memref<32x24x128xf32, #tpu.memory_space<vmem>>, vector<1x16x128xf32>
    %swap3A_349 = vector.shape_cast %swap3A_348 : vector<1x16x128xf32> to vector<16x128xf32>
    %swap3A_350 = vector.shape_cast %slice3A_344 : vector<16x128xf32> to vector<1x16x128xf32>
    tpu.vector_store %arg7[%swap3A_345, %swap3A_346, %swap3A_347], %swap3A_350 {strides = array<i32>} : memref<32x24x128xf32, #tpu.memory_space<vmem>>, vector<1x16x128xf32>,
    %slice3A_351 = vector.extract_strided_slice %add3A_49 {offsets = [0, 2688], sizes = [1, 128], strides = [1, 1]} : vector<1x4096xf32> to vector<1x128xf32>
    %swap3A_352 = arith.constant 21 : index
    %swap3A_353 = arith.constant 0 : index
    %swap3A_354 = arith.constant 0 : index
    %swap3A_355 = vector.load %arg7[%swap3A_352, %swap3A_353, %swap3A_354] : memref<32x24x128xf32, #tpu.memory_space<vmem>>, vector<1x1x128xf32>
    %swap3A_356 = vector.shape_cast %swap3A_355 : vector<1x1x128xf32> to vector<1x128xf32>
    %swap3A_357 = vector.shape_cast %slice3A_351 : vector<1x128xf32> to vector<1x1x128xf32>
    tpu.vector_store %arg7[%swap3A_352, %swap3A_353, %swap3A_354], %swap3A_357 {strides = array<i32>} : memref<32x24x128xf32, #tpu.memory_space<vmem>>, vector<1x1x128xf32>,
    %slice3A_358 = vector.extract_strided_slice %dot_general3A_57 {offsets = [0, 2688], sizes = [16, 128], strides = [1, 1]} : vector<16x4096xf32> to vector<16x128xf32>
    %swap3A_359 = arith.constant 21 : index
    %swap3A_360 = arith.constant 1 : index
    %swap3A_361 = arith.constant 0 : index
    %swap3A_362 = vector.load %arg7[%swap3A_359, %swap3A_360, %swap3A_361] : memref<32x24x128xf32, #tpu.memory_space<vmem>>, vector<1x16x128xf32>
    %swap3A_363 = vector.shape_cast %swap3A_362 : vector<1x16x128xf32> to vector<16x128xf32>
    %swap3A_364 = vector.shape_cast %slice3A_358 : vector<16x128xf32> to vector<1x16x128xf32>
    tpu.vector_store %arg7[%swap3A_359, %swap3A_360, %swap3A_361], %swap3A_364 {strides = array<i32>} : memref<32x24x128xf32, #tpu.memory_space<vmem>>, vector<1x16x128xf32>,
    %slice3A_365 = vector.extract_strided_slice %add3A_49 {offsets = [0, 2816], sizes = [1, 128], strides = [1, 1]} : vector<1x4096xf32> to vector<1x128xf32>
    %swap3A_366 = arith.constant 22 : index
    %swap3A_367 = arith.constant 0 : index
    %swap3A_368 = arith.constant 0 : index
    %swap3A_369 = vector.load %arg7[%swap3A_366, %swap3A_367, %swap3A_368] : memref<32x24x128xf32, #tpu.memory_space<vmem>>, vector<1x1x128xf32>
    %swap3A_370 = vector.shape_cast %swap3A_369 : vector<1x1x128xf32> to vector<1x128xf32>
    %swap3A_371 = vector.shape_cast %slice3A_365 : vector<1x128xf32> to vector<1x1x128xf32>
    tpu.vector_store %arg7[%swap3A_366, %swap3A_367, %swap3A_368], %swap3A_371 {strides = array<i32>} : memref<32x24x128xf32, #tpu.memory_space<vmem>>, vector<1x1x128xf32>,
    %slice3A_372 = vector.extract_strided_slice %dot_general3A_57 {offsets = [0, 2816], sizes = [16, 128], strides = [1, 1]} : vector<16x4096xf32> to vector<16x128xf32>
    %swap3A_373 = arith.constant 22 : index
    %swap3A_374 = arith.constant 1 : index
    %swap3A_375 = arith.constant 0 : index
    %swap3A_376 = vector.load %arg7[%swap3A_373, %swap3A_374, %swap3A_375] : memref<32x24x128xf32, #tpu.memory_space<vmem>>, vector<1x16x128xf32>
    %swap3A_377 = vector.shape_cast %swap3A_376 : vector<1x16x128xf32> to vector<16x128xf32>
    %swap3A_378 = vector.shape_cast %slice3A_372 : vector<16x128xf32> to vector<1x16x128xf32>
    tpu.vector_store %arg7[%swap3A_373, %swap3A_374, %swap3A_375], %swap3A_378 {strides = array<i32>} : memref<32x24x128xf32, #tpu.memory_space<vmem>>, vector<1x16x128xf32>,
    %slice3A_379 = vector.extract_strided_slice %add3A_49 {offsets = [0, 2944], sizes = [1, 128], strides = [1, 1]} : vector<1x4096xf32> to vector<1x128xf32>
    %swap3A_380 = arith.constant 23 : index
    %swap3A_381 = arith.constant 0 : index
    %swap3A_382 = arith.constant 0 : index
    %swap3A_383 = vector.load %arg7[%swap3A_380, %swap3A_381, %swap3A_382] : memref<32x24x128xf32, #tpu.memory_space<vmem>>, vector<1x1x128xf32>
    %swap3A_384 = vector.shape_cast %swap3A_383 : vector<1x1x128xf32> to vector<1x128xf32>
    %swap3A_385 = vector.shape_cast %slice3A_379 : vector<1x128xf32> to vector<1x1x128xf32>
    tpu.vector_store %arg7[%swap3A_380, %swap3A_381, %swap3A_382], %swap3A_385 {strides = array<i32>} : memref<32x24x128xf32, #tpu.memory_space<vmem>>, vector<1x1x128xf32>,
    %slice3A_386 = vector.extract_strided_slice %dot_general3A_57 {offsets = [0, 2944], sizes = [16, 128], strides = [1, 1]} : vector<16x4096xf32> to vector<16x128xf32>
    %swap3A_387 = arith.constant 23 : index
    %swap3A_388 = arith.constant 1 : index
    %swap3A_389 = arith.constant 0 : index
    %swap3A_390 = vector.load %arg7[%swap3A_387, %swap3A_388, %swap3A_389] : memref<32x24x128xf32, #tpu.memory_space<vmem>>, vector<1x16x128xf32>
    %swap3A_391 = vector.shape_cast %swap3A_390 : vector<1x16x128xf32> to vector<16x128xf32>
    %swap3A_392 = vector.shape_cast %slice3A_386 : vector<16x128xf32> to vector<1x16x128xf32>
    tpu.vector_store %arg7[%swap3A_387, %swap3A_388, %swap3A_389], %swap3A_392 {strides = array<i32>} : memref<32x24x128xf32, #tpu.memory_space<vmem>>, vector<1x16x128xf32>,
    %slice3A_393 = vector.extract_strided_slice %add3A_49 {offsets = [0, 3072], sizes = [1, 128], strides = [1, 1]} : vector<1x4096xf32> to vector<1x128xf32>
    %swap3A_394 = arith.constant 24 : index
    %swap3A_395 = arith.constant 0 : index
    %swap3A_396 = arith.constant 0 : index
    %swap3A_397 = vector.load %arg7[%swap3A_394, %swap3A_395, %swap3A_396] : memref<32x24x128xf32, #tpu.memory_space<vmem>>, vector<1x1x128xf32>
    %swap3A_398 = vector.shape_cast %swap3A_397 : vector<1x1x128xf32> to vector<1x128xf32>
    %swap3A_399 = vector.shape_cast %slice3A_393 : vector<1x128xf32> to vector<1x1x128xf32>
    tpu.vector_store %arg7[%swap3A_394, %swap3A_395, %swap3A_396], %swap3A_399 {strides = array<i32>} : memref<32x24x128xf32, #tpu.memory_space<vmem>>, vector<1x1x128xf32>,
    %slice3A_400 = vector.extract_strided_slice %dot_general3A_57 {offsets = [0, 3072], sizes = [16, 128], strides = [1, 1]} : vector<16x4096xf32> to vector<16x128xf32>
    %swap3A_401 = arith.constant 24 : index
    %swap3A_402 = arith.constant 1 : index
    %swap3A_403 = arith.constant 0 : index
    %swap3A_404 = vector.load %arg7[%swap3A_401, %swap3A_402, %swap3A_403] : memref<32x24x128xf32, #tpu.memory_space<vmem>>, vector<1x16x128xf32>
    %swap3A_405 = vector.shape_cast %swap3A_404 : vector<1x16x128xf32> to vector<16x128xf32>
    %swap3A_406 = vector.shape_cast %slice3A_400 : vector<16x128xf32> to vector<1x16x128xf32>
    tpu.vector_store %arg7[%swap3A_401, %swap3A_402, %swap3A_403], %swap3A_406 {strides = array<i32>} : memref<32x24x128xf32, #tpu.memory_space<vmem>>, vector<1x16x128xf32>,
    %slice3A_407 = vector.extract_strided_slice %add3A_49 {offsets = [0, 3200], sizes = [1, 128], strides = [1, 1]} : vector<1x4096xf32> to vector<1x128xf32>
    %swap3A_408 = arith.constant 25 : index
    %swap3A_409 = arith.constant 0 : index
    %swap3A_410 = arith.constant 0 : index
    %swap3A_411 = vector.load %arg7[%swap3A_408, %swap3A_409, %swap3A_410] : memref<32x24x128xf32, #tpu.memory_space<vmem>>, vector<1x1x128xf32>
    %swap3A_412 = vector.shape_cast %swap3A_411 : vector<1x1x128xf32> to vector<1x128xf32>
    %swap3A_413 = vector.shape_cast %slice3A_407 : vector<1x128xf32> to vector<1x1x128xf32>
    tpu.vector_store %arg7[%swap3A_408, %swap3A_409, %swap3A_410], %swap3A_413 {strides = array<i32>} : memref<32x24x128xf32, #tpu.memory_space<vmem>>, vector<1x1x128xf32>,
    %slice3A_414 = vector.extract_strided_slice %dot_general3A_57 {offsets = [0, 3200], sizes = [16, 128], strides = [1, 1]} : vector<16x4096xf32> to vector<16x128xf32>
    %swap3A_415 = arith.constant 25 : index
    %swap3A_416 = arith.constant 1 : index
    %swap3A_417 = arith.constant 0 : index
    %swap3A_418 = vector.load %arg7[%swap3A_415, %swap3A_416, %swap3A_417] : memref<32x24x128xf32, #tpu.memory_space<vmem>>, vector<1x16x128xf32>
    %swap3A_419 = vector.shape_cast %swap3A_418 : vector<1x16x128xf32> to vector<16x128xf32>
    %swap3A_420 = vector.shape_cast %slice3A_414 : vector<16x128xf32> to vector<1x16x128xf32>
    tpu.vector_store %arg7[%swap3A_415, %swap3A_416, %swap3A_417], %swap3A_420 {strides = array<i32>} : memref<32x24x128xf32, #tpu.memory_space<vmem>>, vector<1x16x128xf32>,
    %slice3A_421 = vector.extract_strided_slice %add3A_49 {offsets = [0, 3328], sizes = [1, 128], strides = [1, 1]} : vector<1x4096xf32> to vector<1x128xf32>
    %swap3A_422 = arith.constant 26 : index
    %swap3A_423 = arith.constant 0 : index
    %swap3A_424 = arith.constant 0 : index
    %swap3A_425 = vector.load %arg7[%swap3A_422, %swap3A_423, %swap3A_424] : memref<32x24x128xf32, #tpu.memory_space<vmem>>, vector<1x1x128xf32>
    %swap3A_426 = vector.shape_cast %swap3A_425 : vector<1x1x128xf32> to vector<1x128xf32>
    %swap3A_427 = vector.shape_cast %slice3A_421 : vector<1x128xf32> to vector<1x1x128xf32>
    tpu.vector_store %arg7[%swap3A_422, %swap3A_423, %swap3A_424], %swap3A_427 {strides = array<i32>} : memref<32x24x128xf32, #tpu.memory_space<vmem>>, vector<1x1x128xf32>,
    %slice3A_428 = vector.extract_strided_slice %dot_general3A_57 {offsets = [0, 3328], sizes = [16, 128], strides = [1, 1]} : vector<16x4096xf32> to vector<16x128xf32>
    %swap3A_429 = arith.constant 26 : index
    %swap3A_430 = arith.constant 1 : index
    %swap3A_431 = arith.constant 0 : index
    %swap3A_432 = vector.load %arg7[%swap3A_429, %swap3A_430, %swap3A_431] : memref<32x24x128xf32, #tpu.memory_space<vmem>>, vector<1x16x128xf32>
    %swap3A_433 = vector.shape_cast %swap3A_432 : vector<1x16x128xf32> to vector<16x128xf32>
    %swap3A_434 = vector.shape_cast %slice3A_428 : vector<16x128xf32> to vector<1x16x128xf32>
    tpu.vector_store %arg7[%swap3A_429, %swap3A_430, %swap3A_431], %swap3A_434 {strides = array<i32>} : memref<32x24x128xf32, #tpu.memory_space<vmem>>, vector<1x16x128xf32>,
    %slice3A_435 = vector.extract_strided_slice %add3A_49 {offsets = [0, 3456], sizes = [1, 128], strides = [1, 1]} : vector<1x4096xf32> to vector<1x128xf32>
    %swap3A_436 = arith.constant 27 : index
    %swap3A_437 = arith.constant 0 : index
    %swap3A_438 = arith.constant 0 : index
    %swap3A_439 = vector.load %arg7[%swap3A_436, %swap3A_437, %swap3A_438] : memref<32x24x128xf32, #tpu.memory_space<vmem>>, vector<1x1x128xf32>
    %swap3A_440 = vector.shape_cast %swap3A_439 : vector<1x1x128xf32> to vector<1x128xf32>
    %swap3A_441 = vector.shape_cast %slice3A_435 : vector<1x128xf32> to vector<1x1x128xf32>
    tpu.vector_store %arg7[%swap3A_436, %swap3A_437, %swap3A_438], %swap3A_441 {strides = array<i32>} : memref<32x24x128xf32, #tpu.memory_space<vmem>>, vector<1x1x128xf32>,
    %slice3A_442 = vector.extract_strided_slice %dot_general3A_57 {offsets = [0, 3456], sizes = [16, 128], strides = [1, 1]} : vector<16x4096xf32> to vector<16x128xf32>
    %swap3A_443 = arith.constant 27 : index
    %swap3A_444 = arith.constant 1 : index
    %swap3A_445 = arith.constant 0 : index
    %swap3A_446 = vector.load %arg7[%swap3A_443, %swap3A_444, %swap3A_445] : memref<32x24x128xf32, #tpu.memory_space<vmem>>, vector<1x16x128xf32>
    %swap3A_447 = vector.shape_cast %swap3A_446 : vector<1x16x128xf32> to vector<16x128xf32>
    %swap3A_448 = vector.shape_cast %slice3A_442 : vector<16x128xf32> to vector<1x16x128xf32>
    tpu.vector_store %arg7[%swap3A_443, %swap3A_444, %swap3A_445], %swap3A_448 {strides = array<i32>} : memref<32x24x128xf32, #tpu.memory_space<vmem>>, vector<1x16x128xf32>,
    %slice3A_449 = vector.extract_strided_slice %add3A_49 {offsets = [0, 3584], sizes = [1, 128], strides = [1, 1]} : vector<1x4096xf32> to vector<1x128xf32>
    %swap3A_450 = arith.constant 28 : index
    %swap3A_451 = arith.constant 0 : index
    %swap3A_452 = arith.constant 0 : index
    %swap3A_453 = vector.load %arg7[%swap3A_450, %swap3A_451, %swap3A_452] : memref<32x24x128xf32, #tpu.memory_space<vmem>>, vector<1x1x128xf32>
    %swap3A_454 = vector.shape_cast %swap3A_453 : vector<1x1x128xf32> to vector<1x128xf32>
    %swap3A_455 = vector.shape_cast %slice3A_449 : vector<1x128xf32> to vector<1x1x128xf32>
    tpu.vector_store %arg7[%swap3A_450, %swap3A_451, %swap3A_452], %swap3A_455 {strides = array<i32>} : memref<32x24x128xf32, #tpu.memory_space<vmem>>, vector<1x1x128xf32>,
    %slice3A_456 = vector.extract_strided_slice %dot_general3A_57 {offsets = [0, 3584], sizes = [16, 128], strides = [1, 1]} : vector<16x4096xf32> to vector<16x128xf32>
    %swap3A_457 = arith.constant 28 : index
    %swap3A_458 = arith.constant 1 : index
    %swap3A_459 = arith.constant 0 : index
    %swap3A_460 = vector.load %arg7[%swap3A_457, %swap3A_458, %swap3A_459] : memref<32x24x128xf32, #tpu.memory_space<vmem>>, vector<1x16x128xf32>
    %swap3A_461 = vector.shape_cast %swap3A_460 : vector<1x16x128xf32> to vector<16x128xf32>
    %swap3A_462 = vector.shape_cast %slice3A_456 : vector<16x128xf32> to vector<1x16x128xf32>
    tpu.vector_store %arg7[%swap3A_457, %swap3A_458, %swap3A_459], %swap3A_462 {strides = array<i32>} : memref<32x24x128xf32, #tpu.memory_space<vmem>>, vector<1x16x128xf32>,
    %slice3A_463 = vector.extract_strided_slice %add3A_49 {offsets = [0, 3712], sizes = [1, 128], strides = [1, 1]} : vector<1x4096xf32> to vector<1x128xf32>
    %swap3A_464 = arith.constant 29 : index
    %swap3A_465 = arith.constant 0 : index
    %swap3A_466 = arith.constant 0 : index
    %swap3A_467 = vector.load %arg7[%swap3A_464, %swap3A_465, %swap3A_466] : memref<32x24x128xf32, #tpu.memory_space<vmem>>, vector<1x1x128xf32>
    %swap3A_468 = vector.shape_cast %swap3A_467 : vector<1x1x128xf32> to vector<1x128xf32>
    %swap3A_469 = vector.shape_cast %slice3A_463 : vector<1x128xf32> to vector<1x1x128xf32>
    tpu.vector_store %arg7[%swap3A_464, %swap3A_465, %swap3A_466], %swap3A_469 {strides = array<i32>} : memref<32x24x128xf32, #tpu.memory_space<vmem>>, vector<1x1x128xf32>,
    %slice3A_470 = vector.extract_strided_slice %dot_general3A_57 {offsets = [0, 3712], sizes = [16, 128], strides = [1, 1]} : vector<16x4096xf32> to vector<16x128xf32>
    %swap3A_471 = arith.constant 29 : index
    %swap3A_472 = arith.constant 1 : index
    %swap3A_473 = arith.constant 0 : index
    %swap3A_474 = vector.load %arg7[%swap3A_471, %swap3A_472, %swap3A_473] : memref<32x24x128xf32, #tpu.memory_space<vmem>>, vector<1x16x128xf32>
    %swap3A_475 = vector.shape_cast %swap3A_474 : vector<1x16x128xf32> to vector<16x128xf32>
    %swap3A_476 = vector.shape_cast %slice3A_470 : vector<16x128xf32> to vector<1x16x128xf32>
    tpu.vector_store %arg7[%swap3A_471, %swap3A_472, %swap3A_473], %swap3A_476 {strides = array<i32>} : memref<32x24x128xf32, #tpu.memory_space<vmem>>, vector<1x16x128xf32>,
    %slice3A_477 = vector.extract_strided_slice %add3A_49 {offsets = [0, 3840], sizes = [1, 128], strides = [1, 1]} : vector<1x4096xf32> to vector<1x128xf32>
    %swap3A_478 = arith.constant 30 : index
    %swap3A_479 = arith.constant 0 : index
    %swap3A_480 = arith.constant 0 : index
    %swap3A_481 = vector.load %arg7[%swap3A_478, %swap3A_479, %swap3A_480] : memref<32x24x128xf32, #tpu.memory_space<vmem>>, vector<1x1x128xf32>
    %swap3A_482 = vector.shape_cast %swap3A_481 : vector<1x1x128xf32> to vector<1x128xf32>
    %swap3A_483 = vector.shape_cast %slice3A_477 : vector<1x128xf32> to vector<1x1x128xf32>
    tpu.vector_store %arg7[%swap3A_478, %swap3A_479, %swap3A_480], %swap3A_483 {strides = array<i32>} : memref<32x24x128xf32, #tpu.memory_space<vmem>>, vector<1x1x128xf32>,
    %slice3A_484 = vector.extract_strided_slice %dot_general3A_57 {offsets = [0, 3840], sizes = [16, 128], strides = [1, 1]} : vector<16x4096xf32> to vector<16x128xf32>
    %swap3A_485 = arith.constant 30 : index
    %swap3A_486 = arith.constant 1 : index
    %swap3A_487 = arith.constant 0 : index
    %swap3A_488 = vector.load %arg7[%swap3A_485, %swap3A_486, %swap3A_487] : memref<32x24x128xf32, #tpu.memory_space<vmem>>, vector<1x16x128xf32>
    %swap3A_489 = vector.shape_cast %swap3A_488 : vector<1x16x128xf32> to vector<16x128xf32>
    %swap3A_490 = vector.shape_cast %slice3A_484 : vector<16x128xf32> to vector<1x16x128xf32>
    tpu.vector_store %arg7[%swap3A_485, %swap3A_486, %swap3A_487], %swap3A_490 {strides = array<i32>} : memref<32x24x128xf32, #tpu.memory_space<vmem>>, vector<1x16x128xf32>,
    %slice3A_491 = vector.extract_strided_slice %add3A_49 {offsets = [0, 3968], sizes = [1, 128], strides = [1, 1]} : vector<1x4096xf32> to vector<1x128xf32>
    %swap3A_492 = arith.constant 31 : index
    %swap3A_493 = arith.constant 0 : index
    %swap3A_494 = arith.constant 0 : index
    %swap3A_495 = vector.load %arg7[%swap3A_492, %swap3A_493, %swap3A_494] : memref<32x24x128xf32, #tpu.memory_space<vmem>>, vector<1x1x128xf32>
    %swap3A_496 = vector.shape_cast %swap3A_495 : vector<1x1x128xf32> to vector<1x128xf32>
    %swap3A_497 = vector.shape_cast %slice3A_491 : vector<1x128xf32> to vector<1x1x128xf32>
    tpu.vector_store %arg7[%swap3A_492, %swap3A_493, %swap3A_494], %swap3A_497 {strides = array<i32>} : memref<32x24x128xf32, #tpu.memory_space<vmem>>, vector<1x1x128xf32>,
    %slice3A_498 = vector.extract_strided_slice %dot_general3A_57 {offsets = [0, 3968], sizes = [16, 128], strides = [1, 1]} : vector<16x4096xf32> to vector<16x128xf32>
    %swap3A_499 = arith.constant 31 : index
    %swap3A_500 = arith.constant 1 : index
    %swap3A_501 = arith.constant 0 : index
    %swap3A_502 = vector.load %arg7[%swap3A_499, %swap3A_500, %swap3A_501] : memref<32x24x128xf32, #tpu.memory_space<vmem>>, vector<1x16x128xf32>
    %swap3A_503 = vector.shape_cast %swap3A_502 : vector<1x16x128xf32> to vector<16x128xf32>
    %swap3A_504 = vector.shape_cast %slice3A_498 : vector<16x128xf32> to vector<1x16x128xf32>
    tpu.vector_store %arg7[%swap3A_499, %swap3A_500, %swap3A_501], %swap3A_504 {strides = array<i32>} : memref<32x24x128xf32, #tpu.memory_space<vmem>>, vector<1x16x128xf32>,
    return
  }
  func.func @transform_0(%arg0: i32) -> (i32, i32) {
    %c0_i32 = arith.constant 0 : i32
    %c0_i32_0 = arith.constant 0 : i32
    return %c0_i32, %arg0 : i32, i32
  }
  func.func @transform_1(%arg0: i32) -> (i32, i32) {
    %c0_i32 = arith.constant 0 : i32
    %c0_i32_0 = arith.constant 0 : i32
    return %c0_i32, %arg0 : i32, i32
  }
  func.func @transform_2(%arg0: i32) -> (i32, i32) {
    %c0_i32 = arith.constant 0 : i32
    %c0_i32_0 = arith.constant 0 : i32
    %c0_i32_1 = arith.constant 0 : i32
    return %c0_i32, %c0_i32_0 : i32, i32
  }
  func.func @transform_3(%arg0: i32) -> i32 {
    %c0_i32 = arith.constant 0 : i32
    %c0_i32_0 = arith.constant 0 : i32
    return %c0_i32 : i32
  }
  func.func @transform_4(%arg0: i32) -> (i32, i32) {
    %c0_i32 = arith.constant 0 : i32
    %c0_i32_0 = arith.constant 0 : i32
    %c0_i32_1 = arith.constant 0 : i32
    return %c0_i32, %c0_i32_0 : i32, i32
  }
  func.func @transform_5(%arg0: i32) -> i32 {
    %c0_i32 = arith.constant 0 : i32
    %c0_i32_0 = arith.constant 0 : i32
    return %c0_i32 : i32
  }
  func.func @transform_6(%arg0: i32) -> (i32, i32, i32) {
    %c0_i32 = arith.constant 0 : i32
    %c0_i32_0 = arith.constant 0 : i32
    %c0_i32_1 = arith.constant 0 : i32
    return %arg0, %c0_i32, %c0_i32_0 : i32, i32, i32
  }
}

</mosaic_0001>

<sc_bundles>
// kernel: kernel.4.cloned.1.call-start
scs
__scs_entry_jumppad:
0x0: {  	(pc) =	sbr.rel $0x88, $3  }
0x1: {  	(tag) =	ssettag $0x0;
	lr =	simm.s32 $0x1  }
0x2: {  	[smem:$0x3F9B] =	sst lr;
	_ =	strace $0xD0000000  }
0x3: {  	_ = 	snop  }
0x4: {  	_ = 	snop  }
0x5: {  	_ = 	snop  }
0x6: {  	_ = 	snop  }
0x7: {  	_ = 	snop  }
__scs_overlays_trampoline_lowered:
0x8: {  	[smem:$0x3FAA] =	sst s0  }
0x9: {  	[smem:$0x3FAB] =	sst s1  }
0xa: {  	[smem:$0x3FAC] =	sst s2  }
0xb: {  	[smem:$0x3FAD] =	sst s3  }
0xc: {  	[smem:$0x3FAE] =	sst s4  }
0xd: {  	[smem:$0x3FAF] =	sst s5  }
0xe: {  	[smem:$0x3FB0] =	sst s6  }
0xf: {  	[smem:$0x3FB1] =	sst s7  }
0x10: {  	[smem:$0x3FB2] =	sst s8  }
0x11: {  	[smem:$0x3FB3] =	sst s9;
	s0 =	simm.s32 @!p0 $0x0  }
0x12: {  	s1 =	sld [smem:$0x3F99];
	s0 =	simm.s32 @p0 $0x1  }
0x13: {  	[smem:$0x3FB4] =	sst s0;
	s0 =	simm.s32 @!p1 $0x0  }
0x14: {  	s2 =	sld [smem:$0x3F98];
	s0 =	simm.s32 @p1 $0x1  }
0x15: {  	[smem:$0x3FB5] =	sst s0;
	s0 =	simm.s32 @!p2 $0x0  }
0x16: {  	s3 =	sld [smem:$0x3FDB];
	s0 =	simm.s32 @p2 $0x1  }
0x17: {  	s4 =	simm.s32 $0x1BF5;
	[smem:$0x3FB7] =	sst s0  }
0x18: {  	s0 =	sld [smem:$0x3F9A];
	_ =	swait.ge [sflag:s4], $0x0  }
0x19: {  	s7 =	sld [smem:$0x3F9B]  }
0x1a: {  	s8 =	sadd.s32 $0xFFFFE003, lr  }
0x1b: {  	s9 =	sadd.s32 $0xFFFFFEF7, lr;
	s5 =	simm.s32 $0xFFFFFFFF;
	p2 =	slt.u32 s8, $0xFFFFF086  }
0x1c: {  	p1 =	slt.u32 s9, $0xF7A;
	s5 =	simm.s32 @!p2 $0x0  }
0x1d: {  	s5 =	simm.s32 @p1 $0x1;
	p0 =	seq.s32 s7, s2  }
0x1e: {  	s7 =	smul.u32 @!p0 $0xF7A, s2;
	p2 =	seq.s32 @!p0 s5, $0x0  }
0x1f: {  	s9 =	smul.u32 $0xF7A, s1;
	s8 =	simm.s32 @!p0 $0x1BF5;
	p2 =	por !p2, p0  }
0x20: {  	[sflag:s8] =	ssyncset.s32 @!p0 $0xFFFFF086;
	s6 =	sadd.s32 @!p0 s3, s7;
	s7 =	simm.s32 @!p0 $0x108  }
0x21: {  	s3 =	sadd.s32 s3, s9;
	s6 =	sadd.s32 @!p0 $0x88, s6;
	s7 =	simm.s32 @p2 $0x1082  }
0x22: {  	[simem:s7], [sflag:s8] =	dma.local @!p0 [hbm:s6], $0xF7A  }
0x23: {  	s9 =	sor.u32 $0xD0000000, s2;
	s6 =	simm.s32 $0x108;
	_ =	swait.ge @!p0 [sflag:s8], $0x0  }
0x24: {  	s3 =	sadd.s32 $0x88, s3;
	s6 =	simm.s32 @!p1 $0x1082;
	[sflag:s4] =	ssyncset.s32 $0xFFFFF086  }
0x25: {  	[simem:s6], [sflag:s4] =	dma.local [hbm:s3], $0xF7A  }
0x26: {  	[smem:$0x3F9B] =	sst s1;
	(tag) =	ssettag s2;
	_ =	strace s9  }
0x27: {  	s1 =	sld [smem:$0x3FAB]  }
0x28: {  	s2 =	sld [smem:$0x3FAC]  }
0x29: {  	s4 =	sld [smem:$0x3FAE]  }
0x2a: {  	p0 =	seq.s32 s5, $0x0;
	s5 =	sld [smem:$0x3FAF]  }
0x2b: {  	s6 =	sld [smem:$0x3FB0]  }
0x2c: {  	s7 =	sld [smem:$0x3FB1]  }
0x2d: {  	s3 =	simm.s32 $0x108;
	s8 =	sld [smem:$0x3FB2]  }
0x2e: {  	s3 =	simm.s32 @!p0 $0x1082;
	s9 =	sld [smem:$0x3FB3]  }
0x2f: {  	lr =	sadd.s32 s0, s3;
	s0 =	sld [smem:$0x3FAA]  }
0x30: {  	s3 =	sld [smem:$0x3FAD]  }
0x31: {  	[smem:$0x3FB6] =	sst s10  }
0x32: {  	s10 =	sld [smem:$0x3FB4];
	_ =	sdelay $0x3  }
0x33: {  	p0 =	seq.s32 s10, $0x1;
	s10 =	sld [smem:$0x3FB6];
	_ =	sdelay $0x3  }
0x34: {  	[smem:$0x3FB6] =	sst s10  }
0x35: {  	s10 =	sld [smem:$0x3FB5];
	_ =	sdelay $0x3  }
0x36: {  	p1 =	seq.s32 s10, $0x1;
	s10 =	sld [smem:$0x3FB6];
	_ =	sdelay $0x3  }
0x37: {  	[smem:$0x3FB6] =	sst s10  }
0x38: {  	s10 =	sld [smem:$0x3FB7]  }
0x39: {  	_ = 	snop;
	(pc) =	sbr.ind lr, $3  }
0x3a: {  	_ = 	snop  }
0x3b: {  	_ = 	snop  }
0x3c: {  	p2 =	seq.s32 s10, $0x1;
	s10 =	sld [smem:$0x3FB6]  }
0x3d: {  	_ =	shalt  }
0x3e: {  	_ =	shalt  }
0x3f: {  	_ =	shalt  }
0x40: {  	_ =	shalt  }
0x41: {  	_ =	shalt  }
0x42: {  	_ =	shalt  }
0x43: {  	_ =	shalt  }
0x44: {  	_ =	shalt  }
0x45: {  	_ =	shalt  }
0x46: {  	_ =	shalt  }
0x47: {  	_ =	shalt  }
0x48: {  	_ =	shalt  }
0x49: {  	_ =	shalt  }
0x4a: {  	_ =	shalt  }
0x4b: {  	_ =	shalt  }
0x4c: {  	_ =	shalt  }
0x4d: {  	_ =	shalt  }
0x4e: {  	_ =	shalt  }
0x4f: {  	_ =	shalt  }
0x50: {  	_ =	shalt  }
0x51: {  	_ =	shalt  }
0x52: {  	_ =	shalt  }
0x53: {  	_ =	shalt  }
0x54: {  	_ =	shalt  }
0x55: {  	_ =	shalt  }
0x56: {  	_ =	shalt  }
0x57: {  	_ =	shalt  }
0x58: {  	_ =	shalt  }
0x59: {  	_ =	shalt  }
0x5a: {  	_ =	shalt  }
0x5b: {  	_ =	shalt  }
0x5c: {  	_ =	shalt  }
0x5d: {  	_ =	shalt  }
0x5e: {  	_ =	shalt  }
0x5f: {  	_ =	shalt  }
0x60: {  	_ =	shalt  }
0x61: {  	_ =	shalt  }
0x62: {  	_ =	shalt  }
0x63: {  	_ =	shalt  }
0x64: {  	_ =	shalt  }
0x65: {  	_ =	shalt  }
0x66: {  	_ =	shalt  }
0x67: {  	_ =	shalt  }
0x68: {  	_ =	shalt  }
0x69: {  	_ =	shalt  }
0x6a: {  	_ =	shalt  }
0x6b: {  	_ =	shalt  }
0x6c: {  	_ =	shalt  }
0x6d: {  	_ =	shalt  }
0x6e: {  	_ =	shalt  }
0x6f: {  	_ =	shalt  }
0x70: {  	_ =	shalt  }
0x71: {  	_ =	shalt  }
0x72: {  	_ =	shalt  }
0x73: {  	_ =	shalt  }
0x74: {  	_ =	shalt  }
0x75: {  	_ =	shalt  }
0x76: {  	_ =	shalt  }
0x77: {  	_ =	shalt  }
0x78: {  	_ =	shalt  }
0x79: {  	_ =	shalt  }
0x7a: {  	_ =	shalt  }
0x7b: {  	_ =	shalt  }
0x7c: {  	_ =	shalt  }
0x7d: {  	_ =	shalt  }
0x7e: {  	_ =	shalt  }
0x7f: {  	_ =	shalt  }
0x80: {  	_ =	shalt  }
0x81: {  	_ =	shalt  }
0x82: {  	_ =	shalt  }
0x83: {  	_ =	shalt  }
0x84: {  	_ =	shalt  }
0x85: {  	_ =	shalt  }
0x86: {  	_ =	shalt  }
0x87: {  	_ =	shalt  }
.Lfunc_end0:
.L_simem_size_0:
called_computation_lowered:
.L_overlay_start_0:
0x88: {  	s2 =	sld [smem:$0x3FD9]  }
0x89: {  	s3 =	sld [smem:$0x3FFE];
	_ =	sdelay $0x1  }
0x8a: {  	s1 =	srdreg.scid  }
0x8b: {  	s0 =	sand.u32 $0x1, s1  }
0x8c: {  	s17 =	sshll.u32 s0, $0xA;
	s2 =	sadd.s32 s3, s2  }
0x8d: {  	s2 =	sadd.s32 s2, s17  }
0x8e: {  	[smem:$0x3FC2] =	sst s2  }
0x8f: {  	_ = 	snop  }
0x90: {  	s2 =	sld [smem:$0x3FD0];
	(tm) =	ssettm $0x1  }
0x91: {  	s18 =	sld [smem:$0x3FFB];
	_ =	sdelay $0x3  }
0x92: {  	_ =	strace s18  }
0x93: {  	s3 =	sld [smem:$0x3FFC];
	_ =	sdelay $0x3  }
0x94: {  	_ =	strace s3  }
0x95: {  	s3 =	sld [smem:$0x3FFD];
	_ =	sdelay $0x3  }
0x96: {  	_ =	strace s3  }
0x97: {  	_ =	strace $0x8FFFFFFF  }
0x98: {  	s19 =	sld [smem:$0x3FDB];
	_ =	sdelay $0x1  }
0x99: {  	s4 =	simm.s32 $_scs_section_size  }
0x9a: {  	s5 =	simm.s32 $_size__tile_overlayer_lowered;
	s6 =	simm.s32 $_tile_overlayer_lowered  }
0x9b: {  	s22 =	simm.s32 $0x1BFF;
	s21 =	sshll.u32 s6, $0x1;
	s3 =	sadd.s32 s4, s19  }
0x9c: {  	s7 =	simm.s32 $0x0;
	s20 =	sshll.u32 s5, $0x1;
	s5 =	sadd.s32 s21, s3  }
0x9d: {  	[timem:s7], [sflag:s22] =	dma.local [hbm:s5], s20  }
0x9e: {  	_ =	swait.ge [sflag:s22], s20  }
0x9f: {  	s4 =	ssub.s32 $0x0, s20;
	[sflag:s22] =	ssyncset.done $0x0  }
0xa0: {  	[sflag:s22] =	ssyncadd.s32 s4;
	_ =	sdelay $0x1  }
0xa1: {  	s23 =	simm.s32 $0x1B8B  }
0xa2: {  	_ =	swait.ge [sflag:s23], $0x1  }
0xa3: {  	[sflag:s23] =	ssyncset.done $0x0  }
0xa4: {  	s25 =	simm.s32 $0x1B8E;
	s24 =	sld [smem:$0x3FFE];
	[sflag:s23] =	ssyncadd.s32 $0xFFFFFFFF  }
0xa5: {  	s26 =	simm.s32 $execute0_lowered;
	[smem:$0x3FD2] =	sst s25  }
0xa6: {  	s5 =	sshll.u32 s26, $0x1;
	_ =	strace $0x80000046;
	[dreg:$0x1] =	wrdreg $0xFFFFFFFF  }
0xa7: {  	s28 =	simm.s32 $_size_execute0_lowered;
	s3 =	sadd.s32 s3, s5;
	[dreg:$0x0] =	wrdreg $0x0  }
0xa8: {  	s5 =	sshll.u32 s28, $0x1;
	[dreg:$0x2] =	wrdreg s3  }
0xa9: {  	[dreg:$0x3] =	wrdreg s5  }
0xaa: {  	[dreg:$0x4] =	wrdreg $0xC0  }
0xab: {  	_ =	task [dreg:s7], $0x5FFFF  }
0xac: {  	[dreg:$0x1] =	wrdreg $0xFFFFFFFF  }
0xad: {  	[dreg:$0x0] =	wrdreg $0x60  }
0xae: {  	[dreg:$0x2] =	wrdreg s24  }
0xaf: {  	[dreg:$0x3] =	wrdreg s2  }
0xb0: {  	[dreg:$0x4] =	wrdreg $0x9  }
0xb1: {  	_ =	task.clear_ibuf [dreg:s7], $0x5FFFF;
	_ =	strace $0x90000046  }
0xb2: {  	s29 =	simm.s32 $0x9;
	_ =	strace $0x80000048  }
0xb3: {  	_ =	swait.ge [sflag:s29], $0x1  }
0xb4: {  	[sflag:s29] =	ssyncadd.s32 $0xFFFFFFFF  }
0xb5: {  	_ =	strace $0x90000048  }
0xb6: {  	_ =	sfence  }
0xb7: {  	s30 =	sld [smem:$0x0];
	_ =	sdelay $0x2  }
0xb8: {  	s31 =	sshll.u32 s1, $0xD;
	s1 =	sshrl.u32 s1, $0x2  }
0xb9: {  	s3 =	sand.u32 $0x4000, s31;
	s1 =	sadd.s32 s1, s30  }
0xba: {  	s0 =	sor.u32 s3, s0;
	s1 =	sshll.u32 s1, $0x11  }
0xbb: {  	s0 =	sor.u32 s1, s0  }
0xbc: {  	s0 =	sadd.s32 $0x8F2B, s0  }
0xbd: {  	[sflag:s0] =	ssyncadd.remote.s32 $0x1  }
0xbe: {  	_ =	sfence.sel $0xFFFF  }
0xbf: {  	[dreg:$0x0] =	wrdreg $0xFFFFFFFF;
	(pc) =	sbr.abs _section_cstart, $3  }
0xc0: {  	[dreg:$0x1] =	wrdreg $0xFFFFFFFF  }
0xc1: {  	_ =	task.clear_ibuf [dreg:s7], $0x2FFFF;
	_ =	strace $0x9FFFFFFF  }
0xc2: {  	(tm) =	ssettm $0x7FFFFFFF  }
0xc3: {  	_ =	shalt  }
tec
execute0_lowered:
.L_overlay_start_1:
0x0: {  	(tag) =	ssettag $0x1  }
0x1: {  	s1 =	srdreg.scid;
	s0 =	stileid.u32  }
0x2: {  	s6 =	sand.u32 $0x1, s1;
	s30 =	sshll.u32 s0, $0x1  }
0x3: {  	s3 =	rddreg [dreg:$0x0];
	s7 =	sor.u32 s6, s30  }
0x4: {  	s5 =	rddreg [dreg:$0x1];
	s4 =	smul.u32 $0x180, s7  }
0x5: {  	s2 =	simm.s32 $0x0;
	s1 =	rddreg [dreg:$0x2]  }
0x6: {  	[smem:$0x7FF] =	sst s2;
	s3 =	sadd.s32 s4, s3  }
0x7: {  	_ =	strace $0x80000047;
	s4 =	sadd.s32 $0x1200, s3;
	s3 =	simm.s32 $0x1  }
0x8: {  	[tilespmem:s2], [sflag:$0x1] =	stream.linear.gather [hbm4b:s4+s2], $0xC00, $0x38;
	[tilespmem:$0xC80] =	vst v63  }
0x9: {  	_ =	swait.ge [sflag:s3], $0xC00  }
0xa: {  	[sflag:s3] =	ssyncset.done $0x0  }
0xb: {  	[sflag:s3] =	ssyncadd.s32 $0xFFFFF400  }
0xc: {  	v0 =	vld [tilespmem:$0x0];
	_ =	sdelay $0x4  }
0xd: {  	v0 =	vtrunc.f32 v0  }
0xe: {  	v1 =	vld [tilespmem:$0x10];
	v2 =	vcvt.f32.s32 v0  }
0xf: {  	v7 =	vlaneseq.u32  }
0x10: {  	v0 =	vor.u32 $0x80, v7;
	v2 =	vshll.u32 v2, $0x7  }
0x11: {  	v2 =	vadd.s32 v0, v2;
	_ =	sdelay $0x1  }
0x12: {  	v1 =	vtrunc.f32 v1  }
0x13: {  	v3 =	vld [tilespmem:$0x20];
	v4 =	vcvt.f32.s32 v1;
	_ =	sdelay $0x1  }
0x14: {  	v1 =	vor.u32 $0x90, v7;
	v4 =	vshll.u32 v4, $0x7;
	v2 =	vld.idx.msk [tilespmem:v2+s2+$0x0], $0xffff  }
0x15: {  	v4 =	vadd.s32 v1, v4;
	_ =	sdelay $0x1  }
0x16: {  	v3 =	vtrunc.f32 v3  }
0x17: {  	v5 =	vld [tilespmem:$0x30];
	v3 =	vcvt.f32.s32 v3  }
0x18: {  	[tilespmem:$0xC00] =	vst v2  }
0x19: {  	v3 =	vshll.u32 v3, $0x7;
	v2 =	vor.u32 $0xA0, v7;
	v4 =	vld.idx.msk [tilespmem:v4+s2+$0x0], $0xffff  }
0x1a: {  	v6 =	vadd.s32 v2, v3;
	_ =	sdelay $0x1  }
0x1b: {  	v3 =	vtrunc.f32 v5  }
0x1c: {  	v5 =	vld [tilespmem:$0x40];
	v8 =	vcvt.f32.s32 v3  }
0x1d: {  	[tilespmem:$0xC10] =	vst v4  }
0x1e: {  	v3 =	vor.u32 $0xB0, v7;
	v4 =	vshll.u32 v8, $0x7;
	v6 =	vld.idx.msk [tilespmem:v6+s2+$0x0], $0xffff  }
0x1f: {  	v8 =	vadd.s32 v3, v4;
	_ =	sdelay $0x1  }
0x20: {  	v4 =	vtrunc.f32 v5  }
0x21: {  	v5 =	vld [tilespmem:$0x50];
	v9 =	vcvt.f32.s32 v4  }
0x22: {  	[tilespmem:$0xC20] =	vst v6  }
0x23: {  	v4 =	vor.u32 $0xC0, v7;
	v6 =	vshll.u32 v9, $0x7;
	v8 =	vld.idx.msk [tilespmem:v8+s2+$0x0], $0xffff  }
0x24: {  	v6 =	vadd.s32 v4, v6;
	_ =	sdelay $0x1  }
0x25: {  	v5 =	vtrunc.f32 v5  }
0x26: {  	v62 =	vld [tilespmem:$0x60];
	v10 =	vcvt.f32.s32 v5  }
0x27: {  	[tilespmem:$0xC30] =	vst v8  }
0x28: {  	v5 =	vor.u32 $0xD0, v7;
	v8 =	vshll.u32 v10, $0x7;
	v6 =	vld.idx.msk [tilespmem:v6+s2+$0x0], $0xffff  }
0x29: {  	v8 =	vadd.s32 v5, v8;
	_ =	sdelay $0x1  }
0x2a: {  	v9 =	vtrunc.f32 v62  }
0x2b: {  	v63 =	vld [tilespmem:$0x70];
	v9 =	vcvt.f32.s32 v9  }
0x2c: {  	[tilespmem:$0xC40] =	vst v6  }
0x2d: {  	v9 =	vshll.u32 v9, $0x7;
	v6 =	vor.u32 $0xE0, v7;
	v8 =	vld.idx.msk [tilespmem:v8+s2+$0x0], $0xffff  }
0x2e: {  	v9 =	vadd.s32 v6, v9;
	_ =	sdelay $0x1  }
0x2f: {  	v10 =	vtrunc.f32 v63  }
0x30: {  	v10 =	vcvt.f32.s32 v10  }
0x31: {  	[tilespmem:$0xC50] =	vst v8  }
0x32: {  	v7 =	vor.u32 $0xF0, v7;
	v8 =	vshll.u32 v10, $0x7;
	v9 =	vld.idx.msk [tilespmem:v9+s2+$0x0], $0xffff  }
0x33: {  	v8 =	vadd.s32 v7, v8;
	_ =	sdelay $0x3  }
0x34: {  	s6 =	ssub.s32 $0x2, s6;
	[tilespmem:$0xC60] =	vst v9  }
0x35: {  	s8 =	sshrl.u32 s6, $0x1;
	v8 =	vld.idx.msk [tilespmem:v8+s2+$0x0], $0xffff  }
0x36: {  	s6 =	ssub.s32 s6, s8  }
0x37: {  	s31 =	smax.u32 s6, $0x1  }
0x38: {  	p0 =	sne.s32 s31, $0x1  }
.Ltmp0:
0x39: {  	s7 =	sshll.u32 s7, $0x4;
	(pc) =	sbr.rel @!p0 .LBB2_2-.Ltmp0, $4  }
0x3a: {  	s5 =	sadd.s32 s5, s7;
	s6 =	simm.s32 $0xC00;
	[tilespmem:$0xC70] =	vst v8  }
0x3b: {  	[hbm4b:s5+s2] =	stream.linear.scatter [tilespmem:s6], [sflag:$0x1], $0x80, $0x38;
	[tilespmem:$0xC80] =	vst v63  }
0x3c: {  	_ =	swait.ge [sflag:s3], $0x80  }
0x3d: {  	s7 =	sadd.s32 $0xFFFFFFFF, s31;
	[sflag:s3] =	ssyncset.done $0x0  }
.LBB2_1:
0x3e: {  	p0 =	sne.s32 s7, $0x1;
	s7 =	sadd.s32 $0xFFFFFFFF, s7;
	[sflag:s3] =	ssyncadd.s32 $0xFFFFFF80  }
0x3f: {  	[tilespmem:s2], [sflag:$0x1] =	stream.linear.gather [hbm4b:s4+s2], $0xC00, $0x38;
	[tilespmem:$0xC80] =	vst v63  }
0x40: {  	_ =	swait.ge [sflag:s3], $0xC00  }
0x41: {  	[sflag:s3] =	ssyncset.done $0x0  }
0x42: {  	[sflag:s3] =	ssyncadd.s32 $0xFFFFF400  }
0x43: {  	v8 =	vld [tilespmem:$0x0]  }
0x44: {  	v9 =	vld [tilespmem:$0x10]  }
0x45: {  	v10 =	vld [tilespmem:$0x20]  }
0x46: {  	v11 =	vld [tilespmem:$0x30]  }
0x47: {  	v12 =	vld [tilespmem:$0x40]  }
0x48: {  	v8 =	vtrunc.f32 v8;
	v13 =	vld [tilespmem:$0x50]  }
0x49: {  	v8 =	vcvt.f32.s32 v8;
	v9 =	vtrunc.f32 v9;
	v14 =	vld [tilespmem:$0x60]  }
0x4a: {  	v9 =	vcvt.f32.s32 v9;
	v10 =	vtrunc.f32 v10;
	v15 =	vld [tilespmem:$0x70]  }
0x4b: {  	v8 =	vshll.u32 v8, $0x7;
	v10 =	vcvt.f32.s32 v10;
	v11 =	vtrunc.f32 v11  }
0x4c: {  	v8 =	vadd.s32 v0, v8;
	v9 =	vshll.u32 v9, $0x7;
	v11 =	vcvt.f32.s32 v11  }
0x4d: {  	v12 =	vtrunc.f32 v12;
	v10 =	vshll.u32 v10, $0x7;
	v13 =	vtrunc.f32 v13  }
0x4e: {  	v12 =	vcvt.f32.s32 v12;
	v11 =	vshll.u32 v11, $0x7;
	v13 =	vcvt.f32.s32 v13  }
0x4f: {  	v14 =	vtrunc.f32 v14;
	v15 =	vtrunc.f32 v15  }
0x50: {  	v12 =	vshll.u32 v12, $0x7;
	v14 =	vcvt.f32.s32 v14;
	v13 =	vshll.u32 v13, $0x7  }
0x51: {  	v15 =	vcvt.f32.s32 v15;
	v8 =	vld.idx.msk [tilespmem:v8+s2+$0x0], $0xffff  }
0x52: {  	v14 =	vshll.u32 v14, $0x7  }
0x53: {  	v9 =	vadd.s32 v1, v9;
	v15 =	vshll.u32 v15, $0x7;
	_ =	sdelay $0x3  }
0x54: {  	[tilespmem:$0xC00] =	vst v8  }
0x55: {  	v8 =	vld.idx.msk [tilespmem:v9+s2+$0x0], $0xffff;
	_ =	sdelay $0x1  }
0x56: {  	v9 =	vadd.s32 v2, v10;
	_ =	sdelay $0x3  }
0x57: {  	[tilespmem:$0xC10] =	vst v8  }
0x58: {  	v8 =	vld.idx.msk [tilespmem:v9+s2+$0x0], $0xffff;
	_ =	sdelay $0x1  }
0x59: {  	v9 =	vadd.s32 v3, v11;
	_ =	sdelay $0x3  }
0x5a: {  	[tilespmem:$0xC20] =	vst v8  }
0x5b: {  	v8 =	vld.idx.msk [tilespmem:v9+s2+$0x0], $0xffff;
	_ =	sdelay $0x1  }
0x5c: {  	v9 =	vadd.s32 v4, v12;
	_ =	sdelay $0x3  }
0x5d: {  	[tilespmem:$0xC30] =	vst v8  }
0x5e: {  	v8 =	vld.idx.msk [tilespmem:v9+s2+$0x0], $0xffff;
	_ =	sdelay $0x1  }
0x5f: {  	v9 =	vadd.s32 v5, v13;
	_ =	sdelay $0x3  }
0x60: {  	[tilespmem:$0xC40] =	vst v8  }
0x61: {  	v8 =	vld.idx.msk [tilespmem:v9+s2+$0x0], $0xffff;
	_ =	sdelay $0x1  }
0x62: {  	v9 =	vadd.s32 v6, v14;
	_ =	sdelay $0x3  }
0x63: {  	[tilespmem:$0xC50] =	vst v8  }
0x64: {  	v8 =	vld.idx.msk [tilespmem:v9+s2+$0x0], $0xffff;
	_ =	sdelay $0x1  }
0x65: {  	v9 =	vadd.s32 v7, v15;
	_ =	sdelay $0x3  }
0x66: {  	[tilespmem:$0xC60] =	vst v8  }
0x67: {  	v8 =	vld.idx.msk [tilespmem:v9+s2+$0x0], $0xffff;
	_ =	sdelay $0x4  }
.Ltmp1:
0x68: {  	(pc) =	sbr.rel @p0 .LBB2_1-.Ltmp1, $4  }
0x69: {  	[tilespmem:$0xC70] =	vst v8  }
0x6a: {  	[hbm4b:s5+s2] =	stream.linear.scatter [tilespmem:s6], [sflag:$0x1], $0x80, $0x38;
	[tilespmem:$0xC80] =	vst v63  }
0x6b: {  	_ =	swait.ge [sflag:s3], $0x80  }
0x6c: {  	[sflag:s3] =	ssyncset.done $0x0  }
.LBB2_2:
0x6d: {  	[sflag:s3] =	ssyncadd.s32 $0xFFFFFF80  }
0x6e: {  	_ =	sfence.sel $0x180000  }
0x6f: {  	[bflag:$0x0] =	sbarrier.arrive $0xFFFF  }
0x70: {  	p0 =	sne.s32 s0, $0x0;
	_ =	strace $0x90000047  }
0x71: {  	s0 =	sadd.s32 @!p0 $0x100000, s1;
	[bflag:$0x2] =	sbarrier.arrive $0xFFFF  }
0x72: {  	[sflag:s0] =	ssyncadd.tile.s32 @!p0 $0x1;
	_ =	shalt  }
.Lfunc_end2:
_tile_overlayer_lowered:
.L_overlay_start_2:
0x73: {  	(tag) =	ssettag $0x2  }
0x74: {  	s0 =	rddreg [dreg:$0x0];
	s2 =	stileid.u32  }
0x75: {  	s1 =	rddreg [dreg:$0x1];
	p0 =	sne.s32 s2, $0x0  }
0x76: {  	s3 =	rddreg [dreg:$0x2];
	[bflag:$0x3] =	sbarrier.arrive $0xFFFF;
	s2 =	simm.s32 @!p0 $0x1C01  }
0x77: {  	[timem:s3], [sflag:s2] =	dma.local @!p0 [hbm:s0], s1  }
0x78: {  	s0 =	simm.s32 @!p0 $0x1  }
0x79: {  	_ =	swait.ge @!p0 [sflag:s0], s1  }
0x7a: {  	s1 =	ssub.s32 @!p0 $0x0, s1;
	[sflag:s0] =	ssyncset.done @!p0 $0x0  }
0x7b: {  	[sflag:s0] =	ssyncadd.s32 @!p0 s1  }
0x7c: {  	[bflag:$0x3] =	sbarrier.arrive $0xFFFF  }
0x7d: {  	_ =	shalt  }

</sc_bundles>
